<compile_context>
chip_gen: v7x
topology: tpu7x:2x2x1
jax: 0.10.2.dev20260603
libtpu: 0.0.44.dev20260713+nightly
codegen_flags: <defaults>
</compile_context>

<pallas_src>
import functools

import jax
import jax.numpy as jnp
from jax import lax
from jax.experimental import pallas as pl
from jax.experimental.pallas import tpu as pltpu
from jax.experimental.pallas import tpu_sc as plsc

N = 10000
E = 320000
D = 128

NC = 2
NS = 16
NW = NC * NS
CH = 80
NCHUNK = 125
CHA = 128
NCHUNKA = 79
E_PAD = NW * NCHUNKA * CHA
N_PAD = 10240
ROWS_PER_SUB = N_PAD // NS

_mesh = lambda: plsc.VectorSubcoreMesh(core_axis_name="c", subcore_axis_name="s")


@functools.partial(
    pl.kernel,
    out_type=jax.ShapeDtypeStruct((NC, N_PAD), jnp.float32),
    mesh=_mesh(),
    scratch_types=[
        pltpu.VMEM((NCHUNK, CH), jnp.int32),
        pltpu.VMEM((CH,), jnp.float32),
        pltpu.VMEM_SHARED((N_PAD,), jnp.float32),
        pltpu.SemaphoreType.DMA,
    ],
)
def _deg_kernel(dst_hbm, zeros_hbm, out_hbm, didx_v, ones_v, acc_sh, sem):
  c = lax.axis_index("c")
  s = lax.axis_index("s")
  wid = s * NC + c

  for j in range(CH // 16):
    ones_v[pl.ds(j * 16, 16)] = jnp.full((16,), 1.0, jnp.float32)

  @pl.when(s == 0)
  def _():
    pltpu.sync_copy(zeros_hbm, acc_sh)
  pltpu.sync_copy(dst_hbm.at[wid], didx_v)
  plsc.subcore_barrier()

  G = 5

  def body(g, carry):
    j0 = g * G
    for j in range(G):
      pltpu.async_copy(ones_v, acc_sh.at[didx_v.at[j0 + j]], sem, add=True)
    for j in range(G):
      pltpu.make_async_copy(ones_v, acc_sh.at[didx_v.at[j0 + j]], sem).wait()
    return carry

  lax.fori_loop(0, NCHUNK // G, body, 0)
  plsc.subcore_barrier()

  @pl.when(s == 0)
  def _():
    pltpu.sync_copy(acc_sh, out_hbm.at[c])


@functools.partial(
    pl.kernel,
    out_type=jax.ShapeDtypeStruct((NC, N_PAD, D), jnp.float32),
    mesh=_mesh(),
    scratch_types=[
        pltpu.VMEM((NCHUNKA, CHA), jnp.int32),
        pltpu.VMEM((NCHUNKA, CHA), jnp.int32),
        pltpu.VMEM((CHA, D), jnp.float32),
        pltpu.VMEM_SHARED((N_PAD, D), jnp.float32),
        pltpu.SemaphoreType.DMA,
    ],
)
def _agg_kernel(src_hbm, dst_hbm, xp_hbm, zeros_hbm, out_hbm,
                sidx_v, didx_v, rows_v, acc_sh, sem0):
  c = lax.axis_index("c")
  s = lax.axis_index("s")
  wid = s * NC + c

  r0 = s * ROWS_PER_SUB
  pltpu.sync_copy(zeros_hbm.at[pl.ds(r0, ROWS_PER_SUB)],
                  acc_sh.at[pl.ds(r0, ROWS_PER_SUB)])
  pltpu.sync_copy(src_hbm.at[wid], sidx_v)
  pltpu.sync_copy(dst_hbm.at[wid], didx_v)
  plsc.subcore_barrier()

  def body(j, carry):
    pltpu.async_copy(xp_hbm.at[sidx_v.at[j]], rows_v, sem0).wait()
    pltpu.sync_copy(rows_v, acc_sh.at[didx_v.at[j]], add=True)
    return carry

  lax.fori_loop(0, NCHUNKA, body, 0)
  plsc.subcore_barrier()

  pltpu.sync_copy(acc_sh.at[pl.ds(r0, ROWS_PER_SUB)],
                  out_hbm.at[c, pl.ds(r0, ROWS_PER_SUB)])


def _scale_body(x_ref, dp_ref, o_ref):
  deg = 1.0 + dp_ref[:, 0:1] + dp_ref[:, 1:2]
  o_ref[...] = x_ref[...] * lax.rsqrt(deg)


def _scale_tc(x, dp):
  R = 2000
  grid = (N // R,)
  return pl.pallas_call(
      _scale_body,
      grid=grid,
      in_specs=[
          pl.BlockSpec((R, D), lambda i: (i, 0)),
          pl.BlockSpec((R, 2), lambda i: (i, 0)),
      ],
      out_specs=pl.BlockSpec((R, D), lambda i: (i, 0)),
      out_shape=jax.ShapeDtypeStruct((N, D), jnp.float32),
  )(x, dp)


def _finish_body(x_ref, p_ref, dp_ref, w_ref, b_ref, g_ref, be_ref, o_ref):
  deg = 1.0 + dp_ref[:, 0:1] + dp_ref[:, 1:2]
  dinv = lax.rsqrt(deg)
  x = x_ref[...]
  sagg = (p_ref[0] + p_ref[1] + x * dinv) * dinv
  y = jnp.dot(sagg, w_ref[...], preferred_element_type=jnp.float32)
  y = y + b_ref[...] + x
  mean = jnp.mean(y, axis=-1, keepdims=True)
  yc = y - mean
  var = jnp.mean(yc * yc, axis=-1, keepdims=True)
  yn = yc * lax.rsqrt(var + 1e-5) * g_ref[...] + be_ref[...]
  o_ref[...] = jnp.maximum(yn, 0.0)


def _finish_tc(x, accp, dp, W, b, gamma, beta):
  R = 2000
  grid = (N // R,)
  row = lambda i: (i, 0)
  full = lambda i: (0, 0)
  return pl.pallas_call(
      _finish_body,
      grid=grid,
      in_specs=[
          pl.BlockSpec((R, D), row),
          pl.BlockSpec((NC, R, D), lambda i: (0, i, 0)),
          pl.BlockSpec((R, 2), row),
          pl.BlockSpec((D, D), full),
          pl.BlockSpec((1, D), full),
          pl.BlockSpec((1, D), full),
          pl.BlockSpec((1, D), full),
      ],
      out_specs=pl.BlockSpec((R, D), row),
      out_shape=jax.ShapeDtypeStruct((N, D), jnp.float32),
  )(x, accp, dp, W, b, gamma, beta)


def kernel(x, edge_index, W, b, gamma, beta):
  ei = edge_index.astype(jnp.int32)
  dstd = ei[1].reshape(NW, NCHUNK, CH)
  pad = E_PAD - E
  srcp = jnp.concatenate([ei[0], jnp.zeros((pad,), jnp.int32)])
  dstp = jnp.concatenate([ei[1], jnp.full((pad,), N, jnp.int32)])
  srcp = srcp.reshape(NW, NCHUNKA, CHA)
  dstp = dstp.reshape(NW, NCHUNKA, CHA)
  zeros_nd = jnp.zeros((N_PAD, D), jnp.float32)
  zeros_n = jnp.zeros((N_PAD,), jnp.float32)

  degp = _deg_kernel(dstd, zeros_n)
  dp = degp[:, :N].T
  xp = _scale_tc(x, dp)
  accp = _agg_kernel(srcp, dstp, xp, zeros_nd)
  return _finish_tc(x, accp, dp, W,
                    b.reshape(1, D), gamma.reshape(1, D), beta.reshape(1, D))

# --- scband reference (transcript-rebuilt; emitter-appended) ---
"""Pipeline reference for scband-sparse-gcnblock-30906584662560 (READ-ONLY COPY).

The authoritative reference and input builder live on the scoring server;
editing this copy changes nothing except your own understanding.
"""

import jax, jax.numpy as jnp
import numpy as np

N = 10000
E = 320000
D = 128


def setup_inputs(seed: int = 0) -> dict:
    key = jax.random.key(seed)
    k1, k2, k3, k4 = jax.random.split(key, 4)
    x = jax.random.normal(k1, (N, D), dtype=jnp.float32)
    edge_index = jax.random.randint(k2, (2, E), 0, N, dtype=jnp.int32).astype(jnp.int64)
    # GCNConv learned params (glorot init for weight, zeros for bias)
    limit = float(np.sqrt(6.0 / (D + D)))
    W = jax.random.uniform(k3, (D, D), dtype=jnp.float32, minval=-limit, maxval=limit)
    b = jnp.zeros((D,), dtype=jnp.float32)
    # LayerNorm params
    gamma = jnp.ones((D,), dtype=jnp.float32)
    beta = jnp.zeros((D,), dtype=jnp.float32)
    return {"x": x, "edge_index": edge_index, "W": W, "b": b, "gamma": gamma, "beta": beta}


def reference(x, edge_index, W, b, gamma, beta):
    # residual = Identity (in_channels == out_channels)
    res = x
    # --- GCNConv: add self-loops, symmetric normalization, scatter-add aggregation ---
    src = edge_index[0]
    dst = edge_index[1]
    loop = jnp.arange(N, dtype=edge_index.dtype)
    src = jnp.concatenate([src, loop])
    dst = jnp.concatenate([dst, loop])
    ones = jnp.ones(src.shape[0], dtype=x.dtype)
    deg = jax.ops.segment_sum(ones, dst, num_segments=N)
    dinv = jnp.where(deg > 0, deg ** -0.5, 0.0)
    norm = dinv[src] * dinv[dst]
    h = x @ W
    msg = jnp.take(h, src, axis=0) * norm[:, None]
    agg = jax.ops.segment_sum(msg, dst, num_segments=N) + b
    # --- LayerNorm(agg + res) ---
    y = agg + res
    mean = jnp.mean(y, axis=-1, keepdims=True)
    var = jnp.var(y, axis=-1, keepdims=True)
    yn = (y - mean) / jnp.sqrt(var + 1e-5) * gamma + beta
    # --- ReLU ---
    return jax.nn.relu(yn)

if __name__ == "__main__":
    import jax
    _d = setup_inputs()
    print(jax.jit(kernel)(*tuple(_d.values())))

</pallas_src>

<mosaic_0001>
#map = affine_map<(d0, d1) -> (0, 0, 0)>
#map1 = affine_map<(d0, d1) -> (0, 0)>
module attributes {stable_mosaic.version = 14 : i64} {
  func.func @_agg_kernel(%arg0: i32, %arg1: i32, %arg2: memref<32x79x128xi32, #tpu.memory_space<hbm>>, %arg3: memref<32x79x128xi32, #tpu.memory_space<hbm>>, %arg4: memref<10000x128xf32, #tpu.memory_space<hbm>>, %arg5: memref<10240x128xf32, #tpu.memory_space<hbm>>, %arg6: memref<2x10240x128xf32, #tpu.memory_space<hbm>>, %arg7: memref<79x128xi32, #tpu.memory_space<vmem>>, %arg8: memref<79x128xi32, #tpu.memory_space<vmem>>, %arg9: memref<128x128xf32, #tpu.memory_space<vmem>>, %arg10: memref<10240x128xf32, #tpu.memory_space<vmem_shared>>, %arg11: memref<!tpu.dma_semaphore, #tpu.memory_space<semaphore_mem>>) attributes {dimension_semantics = [#tpu.dimension_semantics<core_parallel>, #tpu.dimension_semantics<subcore_parallel>], iteration_bounds = array<i64: 2, 16>, scalar_prefetch = 0 : i64, scratch_operands = 5 : i64, tpu.core_type = #tpu.core_type<sc_vector_subcore>, window_params = [{transform_indices = #map}, {transform_indices = #map}, {transform_indices = #map1}, {transform_indices = #map1}, {transform_indices = #map}]} {
    %mul3A = arith.constant 2 : i32
    %mul3A_0 = arith.muli %arg1, %mul3A : i32
    %add3A = arith.addi %mul3A_0, %arg0 : i32
    %mul3A_1 = arith.constant 640 : i32
    %mul3A_2 = arith.muli %arg1, %mul3A_1 : i32
    "tpu.region"() ({
      %run_scoped3A = tpu.sem_alloc : memref<!tpu.dma_semaphore, #tpu.memory_space<semaphore_mem>>
      %dma_start3A = arith.constant 0 : i32
      %dma_start3A_9 = tpu.memref_slice %arg10[%mul3A_2, %dma_start3A] : memref<10240x128xf32, #tpu.memory_space<vmem_shared>> -> memref<640x128xf32, #tpu.memory_space<vmem_shared>>
      %dma_start3A_10 = arith.constant 0 : i32
      %dma_start3A_11 = tpu.memref_slice %arg5[%mul3A_2, %dma_start3A_10] : memref<10240x128xf32, #tpu.memory_space<hbm>> -> memref<640x128xf32, #tpu.memory_space<hbm>>
      tpu.enqueue_dma source(%dma_start3A_11 : memref<640x128xf32, #tpu.memory_space<hbm>>) target(%dma_start3A_9 : memref<640x128xf32, #tpu.memory_space<vmem_shared>>) target_semaphore(%run_scoped3A : memref<!tpu.dma_semaphore, #tpu.memory_space<semaphore_mem>>)
      %dma_wait3A = arith.constant 0 : i32
      %dma_wait3A_12 = tpu.memref_slice %arg10[%mul3A_2, %dma_wait3A] : memref<10240x128xf32, #tpu.memory_space<vmem_shared>> -> memref<640x128xf32, #tpu.memory_space<vmem_shared>>
      %dma_wait3A_13 = arith.constant 0 : i32
      %dma_wait3A_14 = tpu.memref_slice %arg5[%mul3A_2, %dma_wait3A_13] : memref<10240x128xf32, #tpu.memory_space<hbm>> -> memref<640x128xf32, #tpu.memory_space<hbm>>
      tpu.wait_dma2 semaphore(%run_scoped3A : memref<!tpu.dma_semaphore, #tpu.memory_space<semaphore_mem>>) src(%dma_wait3A_14 : memref<640x128xf32, #tpu.memory_space<hbm>>) dst(%dma_wait3A_12 : memref<640x128xf32, #tpu.memory_space<vmem_shared>>)
      tpu.yield
    }) : () -> ()
    "tpu.region"() ({
      %run_scoped3A = tpu.sem_alloc : memref<!tpu.dma_semaphore, #tpu.memory_space<semaphore_mem>>
      %dma_start3A = arith.constant 0 : i32
      %dma_start3A_9 = arith.constant 0 : i32
      %dma_start3A_10 = tpu.memref_slice %arg2[%add3A, %dma_start3A, %dma_start3A_9] : memref<32x79x128xi32, #tpu.memory_space<hbm>> -> memref<1x79x128xi32, #tpu.memory_space<hbm>>
      %dma_start3A_11 = tpu.memref_squeeze %dma_start3A_10 : memref<1x79x128xi32, #tpu.memory_space<hbm>> -> memref<79x128xi32, #tpu.memory_space<hbm>>
      %dma_start3A_12 = arith.constant 0 : i32
      %dma_start3A_13 = arith.constant 0 : i32
      %dma_start3A_14 = tpu.memref_slice %arg2[%add3A, %dma_start3A_12, %dma_start3A_13] : memref<32x79x128xi32, #tpu.memory_space<hbm>> -> memref<1x79x128xi32, #tpu.memory_space<hbm>>
      %dma_start3A_15 = tpu.memref_squeeze %dma_start3A_14 : memref<1x79x128xi32, #tpu.memory_space<hbm>> -> memref<79x128xi32, #tpu.memory_space<hbm>>
      tpu.enqueue_dma source(%dma_start3A_15 : memref<79x128xi32, #tpu.memory_space<hbm>>) target(%arg7 : memref<79x128xi32, #tpu.memory_space<vmem>>) target_semaphore(%run_scoped3A : memref<!tpu.dma_semaphore, #tpu.memory_space<semaphore_mem>>)
      %dma_wait3A = arith.constant 0 : i32
      %dma_wait3A_16 = arith.constant 0 : i32
      %dma_wait3A_17 = tpu.memref_slice %arg2[%add3A, %dma_wait3A, %dma_wait3A_16] : memref<32x79x128xi32, #tpu.memory_space<hbm>> -> memref<1x79x128xi32, #tpu.memory_space<hbm>>
      %dma_wait3A_18 = tpu.memref_squeeze %dma_wait3A_17 : memref<1x79x128xi32, #tpu.memory_space<hbm>> -> memref<79x128xi32, #tpu.memory_space<hbm>>
      %dma_wait3A_19 = arith.constant 0 : i32
      %dma_wait3A_20 = arith.constant 0 : i32
      %dma_wait3A_21 = tpu.memref_slice %arg2[%add3A, %dma_wait3A_19, %dma_wait3A_20] : memref<32x79x128xi32, #tpu.memory_space<hbm>> -> memref<1x79x128xi32, #tpu.memory_space<hbm>>
      %dma_wait3A_22 = tpu.memref_squeeze %dma_wait3A_21 : memref<1x79x128xi32, #tpu.memory_space<hbm>> -> memref<79x128xi32, #tpu.memory_space<hbm>>
      tpu.wait_dma2 semaphore(%run_scoped3A : memref<!tpu.dma_semaphore, #tpu.memory_space<semaphore_mem>>) src(%dma_wait3A_22 : memref<79x128xi32, #tpu.memory_space<hbm>>) dst(%arg7 : memref<79x128xi32, #tpu.memory_space<vmem>>)
      tpu.yield
    }) : () -> ()
    "tpu.region"() ({
      %run_scoped3A = tpu.sem_alloc : memref<!tpu.dma_semaphore, #tpu.memory_space<semaphore_mem>>
      %dma_start3A = arith.constant 0 : i32
      %dma_start3A_9 = arith.constant 0 : i32
      %dma_start3A_10 = tpu.memref_slice %arg3[%add3A, %dma_start3A, %dma_start3A_9] : memref<32x79x128xi32, #tpu.memory_space<hbm>> -> memref<1x79x128xi32, #tpu.memory_space<hbm>>
      %dma_start3A_11 = tpu.memref_squeeze %dma_start3A_10 : memref<1x79x128xi32, #tpu.memory_space<hbm>> -> memref<79x128xi32, #tpu.memory_space<hbm>>
      %dma_start3A_12 = arith.constant 0 : i32
      %dma_start3A_13 = arith.constant 0 : i32
      %dma_start3A_14 = tpu.memref_slice %arg3[%add3A, %dma_start3A_12, %dma_start3A_13] : memref<32x79x128xi32, #tpu.memory_space<hbm>> -> memref<1x79x128xi32, #tpu.memory_space<hbm>>
      %dma_start3A_15 = tpu.memref_squeeze %dma_start3A_14 : memref<1x79x128xi32, #tpu.memory_space<hbm>> -> memref<79x128xi32, #tpu.memory_space<hbm>>
      tpu.enqueue_dma source(%dma_start3A_15 : memref<79x128xi32, #tpu.memory_space<hbm>>) target(%arg8 : memref<79x128xi32, #tpu.memory_space<vmem>>) target_semaphore(%run_scoped3A : memref<!tpu.dma_semaphore, #tpu.memory_space<semaphore_mem>>)
      %dma_wait3A = arith.constant 0 : i32
      %dma_wait3A_16 = arith.constant 0 : i32
      %dma_wait3A_17 = tpu.memref_slice %arg3[%add3A, %dma_wait3A, %dma_wait3A_16] : memref<32x79x128xi32, #tpu.memory_space<hbm>> -> memref<1x79x128xi32, #tpu.memory_space<hbm>>
      %dma_wait3A_18 = tpu.memref_squeeze %dma_wait3A_17 : memref<1x79x128xi32, #tpu.memory_space<hbm>> -> memref<79x128xi32, #tpu.memory_space<hbm>>
      %dma_wait3A_19 = arith.constant 0 : i32
      %dma_wait3A_20 = arith.constant 0 : i32
      %dma_wait3A_21 = tpu.memref_slice %arg3[%add3A, %dma_wait3A_19, %dma_wait3A_20] : memref<32x79x128xi32, #tpu.memory_space<hbm>> -> memref<1x79x128xi32, #tpu.memory_space<hbm>>
      %dma_wait3A_22 = tpu.memref_squeeze %dma_wait3A_21 : memref<1x79x128xi32, #tpu.memory_space<hbm>> -> memref<79x128xi32, #tpu.memory_space<hbm>>
      tpu.wait_dma2 semaphore(%run_scoped3A : memref<!tpu.dma_semaphore, #tpu.memory_space<semaphore_mem>>) src(%dma_wait3A_22 : memref<79x128xi32, #tpu.memory_space<hbm>>) dst(%arg8 : memref<79x128xi32, #tpu.memory_space<vmem>>)
      tpu.yield
    }) : () -> ()
    %barrier3A = arith.constant 0 : index
    tpu.barrier barrier_id(%barrier3A)
    %scan3A = arith.constant 0 : i32
    %scan3A_3 = arith.constant 0 : i32
    %scan3A_4 = arith.constant 79 : i32
    %scan3A_5 = arith.addi %scan3A_3, %scan3A_4 : i32
    %scan3A_6 = arith.constant 1 : i32
    scf.for %scan3A_9 = %scan3A_3 to %scan3A_5 step %scan3A_6  : i32 {
      %dma_start3A = arith.constant 0 : i32
      %dma_start3A_10 = tpu.memref_slice %arg7[%scan3A_9, %dma_start3A] : memref<79x128xi32, #tpu.memory_space<vmem>> -> memref<1x128xi32, #tpu.memory_space<vmem>>
      %dma_start3A_11 = tpu.memref_squeeze %dma_start3A_10 : memref<1x128xi32, #tpu.memory_space<vmem>> -> memref<128xi32, #tpu.memory_space<vmem>>
      %dma_start3A_12 = arith.constant 0 : i32
      %dma_start3A_13 = arith.constant 0 : i32
      %dma_start3A_14 = tpu.memref_slice %arg4[%dma_start3A_12, %dma_start3A_13] : memref<10000x128xf32, #tpu.memory_space<hbm>> -> memref<10000x128xf32, #tpu.memory_space<hbm>>
      tpu.enqueue_indirect_dma source(%dma_start3A_14 : memref<10000x128xf32, #tpu.memory_space<hbm>>) target(%arg9 : memref<128x128xf32, #tpu.memory_space<vmem>>) offsets(%dma_start3A_11 : memref<128xi32, #tpu.memory_space<vmem>>) semaphore(%arg11 : memref<!tpu.dma_semaphore, #tpu.memory_space<semaphore_mem>>)
      %dma_wait3A = arith.constant 0 : i32
      %dma_wait3A_15 = tpu.memref_slice %arg7[%scan3A_9, %dma_wait3A] : memref<79x128xi32, #tpu.memory_space<vmem>> -> memref<1x128xi32, #tpu.memory_space<vmem>>
      %dma_wait3A_16 = tpu.memref_squeeze %dma_wait3A_15 : memref<1x128xi32, #tpu.memory_space<vmem>> -> memref<128xi32, #tpu.memory_space<vmem>>
      %dma_wait3A_17 = arith.constant 0 : i32
      %dma_wait3A_18 = arith.constant 0 : i32
      %dma_wait3A_19 = tpu.memref_slice %arg4[%dma_wait3A_17, %dma_wait3A_18] : memref<10000x128xf32, #tpu.memory_space<hbm>> -> memref<10000x128xf32, #tpu.memory_space<hbm>>
      tpu.wait_indirect_dma semaphore(%arg11 : memref<!tpu.dma_semaphore, #tpu.memory_space<semaphore_mem>>) src(%dma_wait3A_19 : memref<10000x128xf32, #tpu.memory_space<hbm>>) dst(%arg9 : memref<128x128xf32, #tpu.memory_space<vmem>>)
      "tpu.region"() ({
        %run_scoped3A = tpu.sem_alloc : memref<!tpu.dma_semaphore, #tpu.memory_space<semaphore_mem>>
        %dma_start3A_20 = arith.constant 0 : i32
        %dma_start3A_21 = tpu.memref_slice %arg8[%scan3A_9, %dma_start3A_20] : memref<79x128xi32, #tpu.memory_space<vmem>> -> memref<1x128xi32, #tpu.memory_space<vmem>>
        %dma_start3A_22 = tpu.memref_squeeze %dma_start3A_21 : memref<1x128xi32, #tpu.memory_space<vmem>> -> memref<128xi32, #tpu.memory_space<vmem>>
        %dma_start3A_23 = arith.constant 0 : i32
        %dma_start3A_24 = arith.constant 0 : i32
        %dma_start3A_25 = tpu.memref_slice %arg10[%dma_start3A_23, %dma_start3A_24] : memref<10240x128xf32, #tpu.memory_space<vmem_shared>> -> memref<10240x128xf32, #tpu.memory_space<vmem_shared>>
        tpu.enqueue_indirect_dma source(%arg9 : memref<128x128xf32, #tpu.memory_space<vmem>>) target(%dma_start3A_25 : memref<10240x128xf32, #tpu.memory_space<vmem_shared>>) offsets(%dma_start3A_22 : memref<128xi32, #tpu.memory_space<vmem>>) semaphore(%run_scoped3A : memref<!tpu.dma_semaphore, #tpu.memory_space<semaphore_mem>>) {add = true}
        %dma_wait3A_26 = arith.constant 0 : i32
        %dma_wait3A_27 = tpu.memref_slice %arg8[%scan3A_9, %dma_wait3A_26] : memref<79x128xi32, #tpu.memory_space<vmem>> -> memref<1x128xi32, #tpu.memory_space<vmem>>
        %dma_wait3A_28 = tpu.memref_squeeze %dma_wait3A_27 : memref<1x128xi32, #tpu.memory_space<vmem>> -> memref<128xi32, #tpu.memory_space<vmem>>
        %dma_wait3A_29 = arith.constant 0 : i32
        %dma_wait3A_30 = arith.constant 0 : i32
        %dma_wait3A_31 = tpu.memref_slice %arg10[%dma_wait3A_29, %dma_wait3A_30] : memref<10240x128xf32, #tpu.memory_space<vmem_shared>> -> memref<10240x128xf32, #tpu.memory_space<vmem_shared>>
        tpu.wait_indirect_dma semaphore(%run_scoped3A : memref<!tpu.dma_semaphore, #tpu.memory_space<semaphore_mem>>) src(%arg9 : memref<128x128xf32, #tpu.memory_space<vmem>>) dst(%dma_wait3A_31 : memref<10240x128xf32, #tpu.memory_space<vmem_shared>>)
        tpu.yield
      }) : () -> ()
    }
    %scan3A_7 = arith.constant 79 : i32
    %barrier3A_8 = arith.constant 0 : index
    tpu.barrier barrier_id(%barrier3A_8)
    "tpu.region"() ({
      %run_scoped3A = tpu.sem_alloc : memref<!tpu.dma_semaphore, #tpu.memory_space<semaphore_mem>>
      %dma_start3A = arith.constant 0 : i32
      %dma_start3A_9 = tpu.memref_slice %arg6[%arg0, %mul3A_2, %dma_start3A] : memref<2x10240x128xf32, #tpu.memory_space<hbm>> -> memref<1x640x128xf32, #tpu.memory_space<hbm>>
      %dma_start3A_10 = tpu.memref_squeeze %dma_start3A_9 : memref<1x640x128xf32, #tpu.memory_space<hbm>> -> memref<640x128xf32, #tpu.memory_space<hbm>>
      %dma_start3A_11 = arith.constant 0 : i32
      %dma_start3A_12 = tpu.memref_slice %arg10[%mul3A_2, %dma_start3A_11] : memref<10240x128xf32, #tpu.memory_space<vmem_shared>> -> memref<640x128xf32, #tpu.memory_space<vmem_shared>>
      tpu.enqueue_dma source(%dma_start3A_12 : memref<640x128xf32, #tpu.memory_space<vmem_shared>>) target(%dma_start3A_10 : memref<640x128xf32, #tpu.memory_space<hbm>>) target_semaphore(%run_scoped3A : memref<!tpu.dma_semaphore, #tpu.memory_space<semaphore_mem>>)
      %dma_wait3A = arith.constant 0 : i32
      %dma_wait3A_13 = tpu.memref_slice %arg6[%arg0, %mul3A_2, %dma_wait3A] : memref<2x10240x128xf32, #tpu.memory_space<hbm>> -> memref<1x640x128xf32, #tpu.memory_space<hbm>>
      %dma_wait3A_14 = tpu.memref_squeeze %dma_wait3A_13 : memref<1x640x128xf32, #tpu.memory_space<hbm>> -> memref<640x128xf32, #tpu.memory_space<hbm>>
      %dma_wait3A_15 = arith.constant 0 : i32
      %dma_wait3A_16 = tpu.memref_slice %arg10[%mul3A_2, %dma_wait3A_15] : memref<10240x128xf32, #tpu.memory_space<vmem_shared>> -> memref<640x128xf32, #tpu.memory_space<vmem_shared>>
      tpu.wait_dma2 semaphore(%run_scoped3A : memref<!tpu.dma_semaphore, #tpu.memory_space<semaphore_mem>>) src(%dma_wait3A_16 : memref<640x128xf32, #tpu.memory_space<vmem_shared>>) dst(%dma_wait3A_14 : memref<640x128xf32, #tpu.memory_space<hbm>>)
      tpu.yield
    }) : () -> ()
    return
  }
}

#map = affine_map<(d0, d1) -> (0, 0, 0)>
#map1 = affine_map<(d0, d1) -> (0)>
#map2 = affine_map<(d0, d1) -> (0, 0)>
module attributes {stable_mosaic.version = 14 : i64} {
  func.func @_deg_kernel(%arg0: i32, %arg1: i32, %arg2: memref<32x125x80xi32, #tpu.memory_space<hbm>>, %arg3: memref<10240xf32, #tpu.memory_space<hbm>>, %arg4: memref<2x10240xf32, #tpu.memory_space<hbm>>, %arg5: memref<125x80xi32, #tpu.memory_space<vmem>>, %arg6: memref<80xf32, #tpu.memory_space<vmem>>, %arg7: memref<10240xf32, #tpu.memory_space<vmem_shared>>, %arg8: memref<!tpu.dma_semaphore, #tpu.memory_space<semaphore_mem>>) attributes {dimension_semantics = [#tpu.dimension_semantics<core_parallel>, #tpu.dimension_semantics<subcore_parallel>], iteration_bounds = array<i64: 2, 16>, scalar_prefetch = 0 : i64, scratch_operands = 4 : i64, tpu.core_type = #tpu.core_type<sc_vector_subcore>, window_params = [{transform_indices = #map}, {transform_indices = #map1}, {transform_indices = #map2}]} {
    %mul3A = arith.constant 2 : i32
    %mul3A_0 = arith.muli %arg1, %mul3A : i32
    %add3A = arith.addi %mul3A_0, %arg0 : i32
    %broadcast_in_dim3A = arith.constant 1.000000e+00 : f32
    %broadcast_in_dim3A_1 = vector.broadcast %broadcast_in_dim3A : f32 to vector<16xf32>
    %swap3A = arith.constant 0 : index
    %swap3A_2 = tpu.vector_load %arg6[%swap3A] {strides = array<i32>} : memref<80xf32, #tpu.memory_space<vmem>>, vector<16xf32>,
    %swap3A_3 = vector.shape_cast %swap3A_2 : vector<16xf32> to vector<16xf32>
    %swap3A_4 = vector.shape_cast %broadcast_in_dim3A_1 : vector<16xf32> to vector<16xf32>
    tpu.vector_store %arg6[%swap3A], %swap3A_4 {strides = array<i32>} : memref<80xf32, #tpu.memory_space<vmem>>, vector<16xf32>,
    %broadcast_in_dim3A_5 = arith.constant 1.000000e+00 : f32
    %broadcast_in_dim3A_6 = vector.broadcast %broadcast_in_dim3A_5 : f32 to vector<16xf32>
    %swap3A_7 = arith.constant 16 : index
    %swap3A_8 = tpu.vector_load %arg6[%swap3A_7] {strides = array<i32>} : memref<80xf32, #tpu.memory_space<vmem>>, vector<16xf32>,
    %swap3A_9 = vector.shape_cast %swap3A_8 : vector<16xf32> to vector<16xf32>
    %swap3A_10 = vector.shape_cast %broadcast_in_dim3A_6 : vector<16xf32> to vector<16xf32>
    tpu.vector_store %arg6[%swap3A_7], %swap3A_10 {strides = array<i32>} : memref<80xf32, #tpu.memory_space<vmem>>, vector<16xf32>,
    %broadcast_in_dim3A_11 = arith.constant 1.000000e+00 : f32
    %broadcast_in_dim3A_12 = vector.broadcast %broadcast_in_dim3A_11 : f32 to vector<16xf32>
    %swap3A_13 = arith.constant 32 : index
    %swap3A_14 = tpu.vector_load %arg6[%swap3A_13] {strides = array<i32>} : memref<80xf32, #tpu.memory_space<vmem>>, vector<16xf32>,
    %swap3A_15 = vector.shape_cast %swap3A_14 : vector<16xf32> to vector<16xf32>
    %swap3A_16 = vector.shape_cast %broadcast_in_dim3A_12 : vector<16xf32> to vector<16xf32>
    tpu.vector_store %arg6[%swap3A_13], %swap3A_16 {strides = array<i32>} : memref<80xf32, #tpu.memory_space<vmem>>, vector<16xf32>,
    %broadcast_in_dim3A_17 = arith.constant 1.000000e+00 : f32
    %broadcast_in_dim3A_18 = vector.broadcast %broadcast_in_dim3A_17 : f32 to vector<16xf32>
    %swap3A_19 = arith.constant 48 : index
    %swap3A_20 = tpu.vector_load %arg6[%swap3A_19] {strides = array<i32>} : memref<80xf32, #tpu.memory_space<vmem>>, vector<16xf32>,
    %swap3A_21 = vector.shape_cast %swap3A_20 : vector<16xf32> to vector<16xf32>
    %swap3A_22 = vector.shape_cast %broadcast_in_dim3A_18 : vector<16xf32> to vector<16xf32>
    tpu.vector_store %arg6[%swap3A_19], %swap3A_22 {strides = array<i32>} : memref<80xf32, #tpu.memory_space<vmem>>, vector<16xf32>,
    %broadcast_in_dim3A_23 = arith.constant 1.000000e+00 : f32
    %broadcast_in_dim3A_24 = vector.broadcast %broadcast_in_dim3A_23 : f32 to vector<16xf32>
    %swap3A_25 = arith.constant 64 : index
    %swap3A_26 = tpu.vector_load %arg6[%swap3A_25] {strides = array<i32>} : memref<80xf32, #tpu.memory_space<vmem>>, vector<16xf32>,
    %swap3A_27 = vector.shape_cast %swap3A_26 : vector<16xf32> to vector<16xf32>
    %swap3A_28 = vector.shape_cast %broadcast_in_dim3A_24 : vector<16xf32> to vector<16xf32>
    tpu.vector_store %arg6[%swap3A_25], %swap3A_28 {strides = array<i32>} : memref<80xf32, #tpu.memory_space<vmem>>, vector<16xf32>,
    %eq3A = arith.constant 0 : i32
    %eq3A_29 = arith.cmpi eq, %arg1, %eq3A : i32
    %convert_element_type3A = arith.extui %eq3A_29 : i1 to i32
    %cond3A = arith.constant 0 : i32
    %cond3A_30 = arith.cmpi ne, %convert_element_type3A, %cond3A : i32
    scf.if %cond3A_30 {
      "tpu.region"() ({
        %run_scoped3A = tpu.sem_alloc : memref<!tpu.dma_semaphore, #tpu.memory_space<semaphore_mem>>
        tpu.enqueue_dma source(%arg3 : memref<10240xf32, #tpu.memory_space<hbm>>) target(%arg7 : memref<10240xf32, #tpu.memory_space<vmem_shared>>) target_semaphore(%run_scoped3A : memref<!tpu.dma_semaphore, #tpu.memory_space<semaphore_mem>>)
        tpu.wait_dma2 semaphore(%run_scoped3A : memref<!tpu.dma_semaphore, #tpu.memory_space<semaphore_mem>>) src(%arg3 : memref<10240xf32, #tpu.memory_space<hbm>>) dst(%arg7 : memref<10240xf32, #tpu.memory_space<vmem_shared>>)
        tpu.yield
      }) : () -> ()
    } else {
    }
    "tpu.region"() ({
      %run_scoped3A = tpu.sem_alloc : memref<!tpu.dma_semaphore, #tpu.memory_space<semaphore_mem>>
      %dma_start3A = arith.constant 0 : i32
      %dma_start3A_42 = arith.constant 0 : i32
      %dma_start3A_43 = tpu.memref_slice %arg2[%add3A, %dma_start3A, %dma_start3A_42] : memref<32x125x80xi32, #tpu.memory_space<hbm>> -> memref<1x125x80xi32, #tpu.memory_space<hbm>>
      %dma_start3A_44 = tpu.memref_squeeze %dma_start3A_43 : memref<1x125x80xi32, #tpu.memory_space<hbm>> -> memref<125x80xi32, #tpu.memory_space<hbm>>
      %dma_start3A_45 = arith.constant 0 : i32
      %dma_start3A_46 = arith.constant 0 : i32
      %dma_start3A_47 = tpu.memref_slice %arg2[%add3A, %dma_start3A_45, %dma_start3A_46] : memref<32x125x80xi32, #tpu.memory_space<hbm>> -> memref<1x125x80xi32, #tpu.memory_space<hbm>>
      %dma_start3A_48 = tpu.memref_squeeze %dma_start3A_47 : memref<1x125x80xi32, #tpu.memory_space<hbm>> -> memref<125x80xi32, #tpu.memory_space<hbm>>
      tpu.enqueue_dma source(%dma_start3A_48 : memref<125x80xi32, #tpu.memory_space<hbm>>) target(%arg5 : memref<125x80xi32, #tpu.memory_space<vmem>>) target_semaphore(%run_scoped3A : memref<!tpu.dma_semaphore, #tpu.memory_space<semaphore_mem>>)
      %dma_wait3A = arith.constant 0 : i32
      %dma_wait3A_49 = arith.constant 0 : i32
      %dma_wait3A_50 = tpu.memref_slice %arg2[%add3A, %dma_wait3A, %dma_wait3A_49] : memref<32x125x80xi32, #tpu.memory_space<hbm>> -> memref<1x125x80xi32, #tpu.memory_space<hbm>>
      %dma_wait3A_51 = tpu.memref_squeeze %dma_wait3A_50 : memref<1x125x80xi32, #tpu.memory_space<hbm>> -> memref<125x80xi32, #tpu.memory_space<hbm>>
      %dma_wait3A_52 = arith.constant 0 : i32
      %dma_wait3A_53 = arith.constant 0 : i32
      %dma_wait3A_54 = tpu.memref_slice %arg2[%add3A, %dma_wait3A_52, %dma_wait3A_53] : memref<32x125x80xi32, #tpu.memory_space<hbm>> -> memref<1x125x80xi32, #tpu.memory_space<hbm>>
      %dma_wait3A_55 = tpu.memref_squeeze %dma_wait3A_54 : memref<1x125x80xi32, #tpu.memory_space<hbm>> -> memref<125x80xi32, #tpu.memory_space<hbm>>
      tpu.wait_dma2 semaphore(%run_scoped3A : memref<!tpu.dma_semaphore, #tpu.memory_space<semaphore_mem>>) src(%dma_wait3A_55 : memref<125x80xi32, #tpu.memory_space<hbm>>) dst(%arg5 : memref<125x80xi32, #tpu.memory_space<vmem>>)
      tpu.yield
    }) : () -> ()
    %barrier3A = arith.constant 0 : index
    tpu.barrier barrier_id(%barrier3A)
    %scan3A = arith.constant 0 : i32
    %scan3A_31 = arith.constant 0 : i32
    %scan3A_32 = arith.constant 25 : i32
    %scan3A_33 = arith.addi %scan3A_31, %scan3A_32 : i32
    %scan3A_34 = arith.constant 1 : i32
    scf.for %scan3A_42 = %scan3A_31 to %scan3A_33 step %scan3A_34  : i32 {
      %mul3A_43 = arith.constant 5 : i32
      %mul3A_44 = arith.muli %scan3A_42, %mul3A_43 : i32
      %add3A_45 = arith.constant 0 : i32
      %add3A_46 = arith.addi %mul3A_44, %add3A_45 : i32
      %dma_start3A = arith.constant 0 : i32
      %dma_start3A_47 = tpu.memref_slice %arg5[%add3A_46, %dma_start3A] : memref<125x80xi32, #tpu.memory_space<vmem>> -> memref<1x80xi32, #tpu.memory_space<vmem>>
      %dma_start3A_48 = tpu.memref_squeeze %dma_start3A_47 : memref<1x80xi32, #tpu.memory_space<vmem>> -> memref<80xi32, #tpu.memory_space<vmem>>
      %dma_start3A_49 = arith.constant 0 : i32
      %dma_start3A_50 = tpu.memref_slice %arg7[%dma_start3A_49] : memref<10240xf32, #tpu.memory_space<vmem_shared>> -> memref<10240xf32, #tpu.memory_space<vmem_shared>>
      tpu.enqueue_indirect_dma source(%arg6 : memref<80xf32, #tpu.memory_space<vmem>>) target(%dma_start3A_50 : memref<10240xf32, #tpu.memory_space<vmem_shared>>) offsets(%dma_start3A_48 : memref<80xi32, #tpu.memory_space<vmem>>) semaphore(%arg8 : memref<!tpu.dma_semaphore, #tpu.memory_space<semaphore_mem>>) {add = true}
      %add3A_51 = arith.constant 1 : i32
      %add3A_52 = arith.addi %mul3A_44, %add3A_51 : i32
      %dma_start3A_53 = arith.constant 0 : i32
      %dma_start3A_54 = tpu.memref_slice %arg5[%add3A_52, %dma_start3A_53] : memref<125x80xi32, #tpu.memory_space<vmem>> -> memref<1x80xi32, #tpu.memory_space<vmem>>
      %dma_start3A_55 = tpu.memref_squeeze %dma_start3A_54 : memref<1x80xi32, #tpu.memory_space<vmem>> -> memref<80xi32, #tpu.memory_space<vmem>>
      %dma_start3A_56 = arith.constant 0 : i32
      %dma_start3A_57 = tpu.memref_slice %arg7[%dma_start3A_56] : memref<10240xf32, #tpu.memory_space<vmem_shared>> -> memref<10240xf32, #tpu.memory_space<vmem_shared>>
      tpu.enqueue_indirect_dma source(%arg6 : memref<80xf32, #tpu.memory_space<vmem>>) target(%dma_start3A_57 : memref<10240xf32, #tpu.memory_space<vmem_shared>>) offsets(%dma_start3A_55 : memref<80xi32, #tpu.memory_space<vmem>>) semaphore(%arg8 : memref<!tpu.dma_semaphore, #tpu.memory_space<semaphore_mem>>) {add = true}
      %add3A_58 = arith.constant 2 : i32
      %add3A_59 = arith.addi %mul3A_44, %add3A_58 : i32
      %dma_start3A_60 = arith.constant 0 : i32
      %dma_start3A_61 = tpu.memref_slice %arg5[%add3A_59, %dma_start3A_60] : memref<125x80xi32, #tpu.memory_space<vmem>> -> memref<1x80xi32, #tpu.memory_space<vmem>>
      %dma_start3A_62 = tpu.memref_squeeze %dma_start3A_61 : memref<1x80xi32, #tpu.memory_space<vmem>> -> memref<80xi32, #tpu.memory_space<vmem>>
      %dma_start3A_63 = arith.constant 0 : i32
      %dma_start3A_64 = tpu.memref_slice %arg7[%dma_start3A_63] : memref<10240xf32, #tpu.memory_space<vmem_shared>> -> memref<10240xf32, #tpu.memory_space<vmem_shared>>
      tpu.enqueue_indirect_dma source(%arg6 : memref<80xf32, #tpu.memory_space<vmem>>) target(%dma_start3A_64 : memref<10240xf32, #tpu.memory_space<vmem_shared>>) offsets(%dma_start3A_62 : memref<80xi32, #tpu.memory_space<vmem>>) semaphore(%arg8 : memref<!tpu.dma_semaphore, #tpu.memory_space<semaphore_mem>>) {add = true}
      %add3A_65 = arith.constant 3 : i32
      %add3A_66 = arith.addi %mul3A_44, %add3A_65 : i32
      %dma_start3A_67 = arith.constant 0 : i32
      %dma_start3A_68 = tpu.memref_slice %arg5[%add3A_66, %dma_start3A_67] : memref<125x80xi32, #tpu.memory_space<vmem>> -> memref<1x80xi32, #tpu.memory_space<vmem>>
      %dma_start3A_69 = tpu.memref_squeeze %dma_start3A_68 : memref<1x80xi32, #tpu.memory_space<vmem>> -> memref<80xi32, #tpu.memory_space<vmem>>
      %dma_start3A_70 = arith.constant 0 : i32
      %dma_start3A_71 = tpu.memref_slice %arg7[%dma_start3A_70] : memref<10240xf32, #tpu.memory_space<vmem_shared>> -> memref<10240xf32, #tpu.memory_space<vmem_shared>>
      tpu.enqueue_indirect_dma source(%arg6 : memref<80xf32, #tpu.memory_space<vmem>>) target(%dma_start3A_71 : memref<10240xf32, #tpu.memory_space<vmem_shared>>) offsets(%dma_start3A_69 : memref<80xi32, #tpu.memory_space<vmem>>) semaphore(%arg8 : memref<!tpu.dma_semaphore, #tpu.memory_space<semaphore_mem>>) {add = true}
      %add3A_72 = arith.constant 4 : i32
      %add3A_73 = arith.addi %mul3A_44, %add3A_72 : i32
      %dma_start3A_74 = arith.constant 0 : i32
      %dma_start3A_75 = tpu.memref_slice %arg5[%add3A_73, %dma_start3A_74] : memref<125x80xi32, #tpu.memory_space<vmem>> -> memref<1x80xi32, #tpu.memory_space<vmem>>
      %dma_start3A_76 = tpu.memref_squeeze %dma_start3A_75 : memref<1x80xi32, #tpu.memory_space<vmem>> -> memref<80xi32, #tpu.memory_space<vmem>>
      %dma_start3A_77 = arith.constant 0 : i32
      %dma_start3A_78 = tpu.memref_slice %arg7[%dma_start3A_77] : memref<10240xf32, #tpu.memory_space<vmem_shared>> -> memref<10240xf32, #tpu.memory_space<vmem_shared>>
      tpu.enqueue_indirect_dma source(%arg6 : memref<80xf32, #tpu.memory_space<vmem>>) target(%dma_start3A_78 : memref<10240xf32, #tpu.memory_space<vmem_shared>>) offsets(%dma_start3A_76 : memref<80xi32, #tpu.memory_space<vmem>>) semaphore(%arg8 : memref<!tpu.dma_semaphore, #tpu.memory_space<semaphore_mem>>) {add = true}
      %add3A_79 = arith.constant 0 : i32
      %add3A_80 = arith.addi %mul3A_44, %add3A_79 : i32
      %dma_wait3A = arith.constant 0 : i32
      %dma_wait3A_81 = tpu.memref_slice %arg5[%add3A_80, %dma_wait3A] : memref<125x80xi32, #tpu.memory_space<vmem>> -> memref<1x80xi32, #tpu.memory_space<vmem>>
      %dma_wait3A_82 = tpu.memref_squeeze %dma_wait3A_81 : memref<1x80xi32, #tpu.memory_space<vmem>> -> memref<80xi32, #tpu.memory_space<vmem>>
      %dma_wait3A_83 = arith.constant 0 : i32
      %dma_wait3A_84 = tpu.memref_slice %arg7[%dma_wait3A_83] : memref<10240xf32, #tpu.memory_space<vmem_shared>> -> memref<10240xf32, #tpu.memory_space<vmem_shared>>
      tpu.wait_indirect_dma semaphore(%arg8 : memref<!tpu.dma_semaphore, #tpu.memory_space<semaphore_mem>>) src(%arg6 : memref<80xf32, #tpu.memory_space<vmem>>) dst(%dma_wait3A_84 : memref<10240xf32, #tpu.memory_space<vmem_shared>>)
      %add3A_85 = arith.constant 1 : i32
      %add3A_86 = arith.addi %mul3A_44, %add3A_85 : i32
      %dma_wait3A_87 = arith.constant 0 : i32
      %dma_wait3A_88 = tpu.memref_slice %arg5[%add3A_86, %dma_wait3A_87] : memref<125x80xi32, #tpu.memory_space<vmem>> -> memref<1x80xi32, #tpu.memory_space<vmem>>
      %dma_wait3A_89 = tpu.memref_squeeze %dma_wait3A_88 : memref<1x80xi32, #tpu.memory_space<vmem>> -> memref<80xi32, #tpu.memory_space<vmem>>
      %dma_wait3A_90 = arith.constant 0 : i32
      %dma_wait3A_91 = tpu.memref_slice %arg7[%dma_wait3A_90] : memref<10240xf32, #tpu.memory_space<vmem_shared>> -> memref<10240xf32, #tpu.memory_space<vmem_shared>>
      tpu.wait_indirect_dma semaphore(%arg8 : memref<!tpu.dma_semaphore, #tpu.memory_space<semaphore_mem>>) src(%arg6 : memref<80xf32, #tpu.memory_space<vmem>>) dst(%dma_wait3A_91 : memref<10240xf32, #tpu.memory_space<vmem_shared>>)
      %add3A_92 = arith.constant 2 : i32
      %add3A_93 = arith.addi %mul3A_44, %add3A_92 : i32
      %dma_wait3A_94 = arith.constant 0 : i32
      %dma_wait3A_95 = tpu.memref_slice %arg5[%add3A_93, %dma_wait3A_94] : memref<125x80xi32, #tpu.memory_space<vmem>> -> memref<1x80xi32, #tpu.memory_space<vmem>>
      %dma_wait3A_96 = tpu.memref_squeeze %dma_wait3A_95 : memref<1x80xi32, #tpu.memory_space<vmem>> -> memref<80xi32, #tpu.memory_space<vmem>>
      %dma_wait3A_97 = arith.constant 0 : i32
      %dma_wait3A_98 = tpu.memref_slice %arg7[%dma_wait3A_97] : memref<10240xf32, #tpu.memory_space<vmem_shared>> -> memref<10240xf32, #tpu.memory_space<vmem_shared>>
      tpu.wait_indirect_dma semaphore(%arg8 : memref<!tpu.dma_semaphore, #tpu.memory_space<semaphore_mem>>) src(%arg6 : memref<80xf32, #tpu.memory_space<vmem>>) dst(%dma_wait3A_98 : memref<10240xf32, #tpu.memory_space<vmem_shared>>)
      %add3A_99 = arith.constant 3 : i32
      %add3A_100 = arith.addi %mul3A_44, %add3A_99 : i32
      %dma_wait3A_101 = arith.constant 0 : i32
      %dma_wait3A_102 = tpu.memref_slice %arg5[%add3A_100, %dma_wait3A_101] : memref<125x80xi32, #tpu.memory_space<vmem>> -> memref<1x80xi32, #tpu.memory_space<vmem>>
      %dma_wait3A_103 = tpu.memref_squeeze %dma_wait3A_102 : memref<1x80xi32, #tpu.memory_space<vmem>> -> memref<80xi32, #tpu.memory_space<vmem>>
      %dma_wait3A_104 = arith.constant 0 : i32
      %dma_wait3A_105 = tpu.memref_slice %arg7[%dma_wait3A_104] : memref<10240xf32, #tpu.memory_space<vmem_shared>> -> memref<10240xf32, #tpu.memory_space<vmem_shared>>
      tpu.wait_indirect_dma semaphore(%arg8 : memref<!tpu.dma_semaphore, #tpu.memory_space<semaphore_mem>>) src(%arg6 : memref<80xf32, #tpu.memory_space<vmem>>) dst(%dma_wait3A_105 : memref<10240xf32, #tpu.memory_space<vmem_shared>>)
      %add3A_106 = arith.constant 4 : i32
      %add3A_107 = arith.addi %mul3A_44, %add3A_106 : i32
      %dma_wait3A_108 = arith.constant 0 : i32
      %dma_wait3A_109 = tpu.memref_slice %arg5[%add3A_107, %dma_wait3A_108] : memref<125x80xi32, #tpu.memory_space<vmem>> -> memref<1x80xi32, #tpu.memory_space<vmem>>
      %dma_wait3A_110 = tpu.memref_squeeze %dma_wait3A_109 : memref<1x80xi32, #tpu.memory_space<vmem>> -> memref<80xi32, #tpu.memory_space<vmem>>
      %dma_wait3A_111 = arith.constant 0 : i32
      %dma_wait3A_112 = tpu.memref_slice %arg7[%dma_wait3A_111] : memref<10240xf32, #tpu.memory_space<vmem_shared>> -> memref<10240xf32, #tpu.memory_space<vmem_shared>>
      tpu.wait_indirect_dma semaphore(%arg8 : memref<!tpu.dma_semaphore, #tpu.memory_space<semaphore_mem>>) src(%arg6 : memref<80xf32, #tpu.memory_space<vmem>>) dst(%dma_wait3A_112 : memref<10240xf32, #tpu.memory_space<vmem_shared>>)
    }
    %scan3A_35 = arith.constant 25 : i32
    %barrier3A_36 = arith.constant 0 : index
    tpu.barrier barrier_id(%barrier3A_36)
    %eq3A_37 = arith.constant 0 : i32
    %eq3A_38 = arith.cmpi eq, %arg1, %eq3A_37 : i32
    %convert_element_type3A_39 = arith.extui %eq3A_38 : i1 to i32
    %cond3A_40 = arith.constant 0 : i32
    %cond3A_41 = arith.cmpi ne, %convert_element_type3A_39, %cond3A_40 : i32
    scf.if %cond3A_41 {
      "tpu.region"() ({
        %run_scoped3A = tpu.sem_alloc : memref<!tpu.dma_semaphore, #tpu.memory_space<semaphore_mem>>
        %dma_start3A = arith.constant 0 : i32
        %dma_start3A_42 = tpu.memref_slice %arg4[%arg0, %dma_start3A] : memref<2x10240xf32, #tpu.memory_space<hbm>> -> memref<1x10240xf32, #tpu.memory_space<hbm>>
        %dma_start3A_43 = tpu.memref_squeeze %dma_start3A_42 : memref<1x10240xf32, #tpu.memory_space<hbm>> -> memref<10240xf32, #tpu.memory_space<hbm>>
        tpu.enqueue_dma source(%arg7 : memref<10240xf32, #tpu.memory_space<vmem_shared>>) target(%dma_start3A_43 : memref<10240xf32, #tpu.memory_space<hbm>>) target_semaphore(%run_scoped3A : memref<!tpu.dma_semaphore, #tpu.memory_space<semaphore_mem>>)
        %dma_wait3A = arith.constant 0 : i32
        %dma_wait3A_44 = tpu.memref_slice %arg4[%arg0, %dma_wait3A] : memref<2x10240xf32, #tpu.memory_space<hbm>> -> memref<1x10240xf32, #tpu.memory_space<hbm>>
        %dma_wait3A_45 = tpu.memref_squeeze %dma_wait3A_44 : memref<1x10240xf32, #tpu.memory_space<hbm>> -> memref<10240xf32, #tpu.memory_space<hbm>>
        tpu.wait_dma2 semaphore(%run_scoped3A : memref<!tpu.dma_semaphore, #tpu.memory_space<semaphore_mem>>) src(%arg7 : memref<10240xf32, #tpu.memory_space<vmem_shared>>) dst(%dma_wait3A_45 : memref<10240xf32, #tpu.memory_space<hbm>>)
        tpu.yield
      }) : () -> ()
    } else {
    }
    return
  }
}

module attributes {stable_mosaic.version = 14 : i64} {
  func.func @_scale_body(%arg0: i32, %arg1: memref<2000x128xf32, #tpu.memory_space<vmem>>, %arg2: memref<2000x2xf32, #tpu.memory_space<vmem>>, %arg3: memref<2000x128xf32, #tpu.memory_space<vmem>>) attributes {dimension_semantics = [#tpu.dimension_semantics<arbitrary>], iteration_bounds = array<i64: 5>, scalar_prefetch = 0 : i64, scratch_operands = 0 : i64, tpu.core_type = #tpu.core_type<tc>, window_params = [{transform_indices = @transform_0, window_bounds = array<i64: 2000, 128>}, {transform_indices = @transform_1, window_bounds = array<i64: 2000, 2>}, {transform_indices = @transform_2, window_bounds = array<i64: 2000, 128>}]} {
    %get3A = arith.constant 0 : index
    %get3A_0 = arith.constant 0 : index
    %get3A_1 = vector.load %arg2[%get3A, %get3A_0] : memref<2000x2xf32, #tpu.memory_space<vmem>>, vector<2000x1xf32>
    %add3A = arith.constant 1.000000e+00 : f32
    %add3A_2 = vector.broadcast %add3A : f32 to vector<2000x1xf32>
    %add3A_3 = arith.addf %add3A_2, %get3A_1 : vector<2000x1xf32>
    %get3A_4 = arith.constant 0 : index
    %get3A_5 = arith.constant 1 : index
    %get3A_6 = vector.load %arg2[%get3A_4, %get3A_5] : memref<2000x2xf32, #tpu.memory_space<vmem>>, vector<2000x1xf32>
    %add3A_7 = arith.addf %add3A_3, %get3A_6 : vector<2000x1xf32>
    %get3A_8 = arith.constant 0 : index
    %get3A_9 = arith.constant 0 : index
    %get3A_10 = vector.load %arg1[%get3A_8, %get3A_9] : memref<2000x128xf32, #tpu.memory_space<vmem>>, vector<2000x128xf32>
    %rsqrt3A = math.rsqrt %add3A_7 : vector<2000x1xf32>
    %mul3A = vector.broadcast %rsqrt3A : vector<2000x1xf32> to vector<2000x128xf32>
    %mul3A_11 = arith.mulf %get3A_10, %mul3A : vector<2000x128xf32>
    %swap3A = arith.constant 0 : index
    %swap3A_12 = arith.constant 0 : index
    %swap3A_13 = vector.load %arg3[%swap3A, %swap3A_12] : memref<2000x128xf32, #tpu.memory_space<vmem>>, vector<2000x128xf32>
    tpu.vector_store %arg3[%swap3A, %swap3A_12], %mul3A_11 {strides = array<i32>} : memref<2000x128xf32, #tpu.memory_space<vmem>>, vector<2000x128xf32>,
    return
  }
  func.func @transform_0(%arg0: i32) -> (i32, i32) {
    %c0_i32 = arith.constant 0 : i32
    %c0_i32_0 = arith.constant 0 : i32
    return %arg0, %c0_i32 : i32, i32
  }
  func.func @transform_1(%arg0: i32) -> (i32, i32) {
    %c0_i32 = arith.constant 0 : i32
    %c0_i32_0 = arith.constant 0 : i32
    return %arg0, %c0_i32 : i32, i32
  }
  func.func @transform_2(%arg0: i32) -> (i32, i32) {
    %c0_i32 = arith.constant 0 : i32
    %c0_i32_0 = arith.constant 0 : i32
    return %arg0, %c0_i32 : i32, i32
  }
}

module attributes {stable_mosaic.version = 14 : i64} {
  func.func @_finish_body(%arg0: i32, %arg1: memref<2000x128xf32, #tpu.memory_space<vmem>>, %arg2: memref<2x2000x128xf32, #tpu.memory_space<vmem>>, %arg3: memref<2000x2xf32, #tpu.memory_space<vmem>>, %arg4: memref<128x128xf32, #tpu.memory_space<vmem>>, %arg5: memref<1x128xf32, #tpu.memory_space<vmem>>, %arg6: memref<1x128xf32, #tpu.memory_space<vmem>>, %arg7: memref<1x128xf32, #tpu.memory_space<vmem>>, %arg8: memref<2000x128xf32, #tpu.memory_space<vmem>>) attributes {dimension_semantics = [#tpu.dimension_semantics<arbitrary>], iteration_bounds = array<i64: 5>, scalar_prefetch = 0 : i64, scratch_operands = 0 : i64, tpu.core_type = #tpu.core_type<tc>, window_params = [{transform_indices = @transform_0, window_bounds = array<i64: 2000, 128>}, {transform_indices = @transform_1, window_bounds = array<i64: 2, 2000, 128>}, {transform_indices = @transform_2, window_bounds = array<i64: 2000, 2>}, {pipeline_mode = #tpu.pipeline_mode<synchronous>, transform_indices = @transform_3, window_bounds = array<i64: 128, 128>}, {pipeline_mode = #tpu.pipeline_mode<synchronous>, transform_indices = @transform_4, window_bounds = array<i64: 1, 128>}, {pipeline_mode = #tpu.pipeline_mode<synchronous>, transform_indices = @transform_5, window_bounds = array<i64: 1, 128>}, {pipeline_mode = #tpu.pipeline_mode<synchronous>, transform_indices = @transform_6, window_bounds = array<i64: 1, 128>}, {transform_indices = @transform_7, window_bounds = array<i64: 2000, 128>}]} {
    %get3A = arith.constant 0 : index
    %get3A_0 = arith.constant 0 : index
    %get3A_1 = vector.load %arg3[%get3A, %get3A_0] : memref<2000x2xf32, #tpu.memory_space<vmem>>, vector<2000x1xf32>
    %add3A = arith.constant 1.000000e+00 : f32
    %add3A_2 = vector.broadcast %add3A : f32 to vector<2000x1xf32>
    %add3A_3 = arith.addf %add3A_2, %get3A_1 : vector<2000x1xf32>
    %get3A_4 = arith.constant 0 : index
    %get3A_5 = arith.constant 1 : index
    %get3A_6 = vector.load %arg3[%get3A_4, %get3A_5] : memref<2000x2xf32, #tpu.memory_space<vmem>>, vector<2000x1xf32>
    %add3A_7 = arith.addf %add3A_3, %get3A_6 : vector<2000x1xf32>
    %rsqrt3A = math.rsqrt %add3A_7 : vector<2000x1xf32>
    %get3A_8 = arith.constant 0 : index
    %get3A_9 = arith.constant 0 : index
    %get3A_10 = vector.load %arg1[%get3A_8, %get3A_9] : memref<2000x128xf32, #tpu.memory_space<vmem>>, vector<2000x128xf32>
    %get3A_11 = arith.constant 0 : index
    %get3A_12 = arith.constant 0 : index
    %get3A_13 = arith.constant 0 : index
    %get3A_14 = vector.load %arg2[%get3A_11, %get3A_12, %get3A_13] : memref<2x2000x128xf32, #tpu.memory_space<vmem>>, vector<1x2000x128xf32>
    %get3A_15 = vector.shape_cast %get3A_14 : vector<1x2000x128xf32> to vector<2000x128xf32>
    %get3A_16 = arith.constant 1 : index
    %get3A_17 = arith.constant 0 : index
    %get3A_18 = arith.constant 0 : index
    %get3A_19 = vector.load %arg2[%get3A_16, %get3A_17, %get3A_18] : memref<2x2000x128xf32, #tpu.memory_space<vmem>>, vector<1x2000x128xf32>
    %get3A_20 = vector.shape_cast %get3A_19 : vector<1x2000x128xf32> to vector<2000x128xf32>
    %add3A_21 = arith.addf %get3A_15, %get3A_20 : vector<2000x128xf32>
    %mul3A = vector.broadcast %rsqrt3A : vector<2000x1xf32> to vector<2000x128xf32>
    %mul3A_22 = arith.mulf %get3A_10, %mul3A : vector<2000x128xf32>
    %add3A_23 = arith.addf %add3A_21, %mul3A_22 : vector<2000x128xf32>
    %mul3A_24 = vector.broadcast %rsqrt3A : vector<2000x1xf32> to vector<2000x128xf32>
    %mul3A_25 = arith.mulf %add3A_23, %mul3A_24 : vector<2000x128xf32>
    %get3A_26 = arith.constant 0 : index
    %get3A_27 = arith.constant 0 : index
    %get3A_28 = vector.load %arg4[%get3A_26, %get3A_27] : memref<128x128xf32, #tpu.memory_space<vmem>>, vector<128x128xf32>
    %dot_general3A = arith.constant dense<0.000000e+00> : vector<2000x128xf32>
    %dot_general3A_29 = tpu.matmul %mul3A_25, %get3A_28, %dot_general3A {dimension_numbers = #tpu.dot_dimension_numbers<[1], [0], [0], [1], [0, 0, 1, 1], [], []>, transpose_lhs_hint = false} : vector<2000x128xf32>, vector<128x128xf32>, vector<2000x128xf32> -> vector<2000x128xf32>
    %get3A_30 = arith.constant 0 : index
    %get3A_31 = arith.constant 0 : index
    %get3A_32 = vector.load %arg5[%get3A_30, %get3A_31] : memref<1x128xf32, #tpu.memory_space<vmem>>, vector<1x128xf32>
    %add3A_33 = vector.broadcast %get3A_32 : vector<1x128xf32> to vector<2000x128xf32>
    %add3A_34 = arith.addf %dot_general3A_29, %add3A_33 : vector<2000x128xf32>
    %add3A_35 = arith.addf %add3A_34, %get3A_10 : vector<2000x128xf32>
    %reduce_sum3A = arith.constant dense<0.000000e+00> : vector<2000xf32>
    %reduce_sum3A_36 = vector.multi_reduction <add>, %add3A_35, %reduce_sum3A [1] : vector<2000x128xf32> to vector<2000xf32>
    %broadcast_in_dim3A = vector.shape_cast %reduce_sum3A_36 : vector<2000xf32> to vector<2000x1xf32>
    %div3A = arith.constant 1.280000e+02 : f32
    %div3A_37 = vector.broadcast %div3A : f32 to vector<2000x1xf32>
    %div3A_38 = arith.divf %broadcast_in_dim3A, %div3A_37 : vector<2000x1xf32>
    %sub3A = vector.broadcast %div3A_38 : vector<2000x1xf32> to vector<2000x128xf32>
    %sub3A_39 = arith.subf %add3A_35, %sub3A : vector<2000x128xf32>
    %mul3A_40 = arith.mulf %sub3A_39, %sub3A_39 : vector<2000x128xf32>
    %reduce_sum3A_41 = arith.constant dense<0.000000e+00> : vector<2000xf32>
    %reduce_sum3A_42 = vector.multi_reduction <add>, %mul3A_40, %reduce_sum3A_41 [1] : vector<2000x128xf32> to vector<2000xf32>
    %broadcast_in_dim3A_43 = vector.shape_cast %reduce_sum3A_42 : vector<2000xf32> to vector<2000x1xf32>
    %div3A_44 = arith.constant 1.280000e+02 : f32
    %div3A_45 = vector.broadcast %div3A_44 : f32 to vector<2000x1xf32>
    %div3A_46 = arith.divf %broadcast_in_dim3A_43, %div3A_45 : vector<2000x1xf32>
    %add3A_47 = arith.constant 9.99999974E-6 : f32
    %add3A_48 = vector.broadcast %add3A_47 : f32 to vector<2000x1xf32>
    %add3A_49 = arith.addf %div3A_46, %add3A_48 : vector<2000x1xf32>
    %rsqrt3A_50 = math.rsqrt %add3A_49 : vector<2000x1xf32>
    %mul3A_51 = vector.broadcast %rsqrt3A_50 : vector<2000x1xf32> to vector<2000x128xf32>
    %mul3A_52 = arith.mulf %sub3A_39, %mul3A_51 : vector<2000x128xf32>
    %get3A_53 = arith.constant 0 : index
    %get3A_54 = arith.constant 0 : index
    %get3A_55 = vector.load %arg6[%get3A_53, %get3A_54] : memref<1x128xf32, #tpu.memory_space<vmem>>, vector<1x128xf32>
    %mul3A_56 = vector.broadcast %get3A_55 : vector<1x128xf32> to vector<2000x128xf32>
    %mul3A_57 = arith.mulf %mul3A_52, %mul3A_56 : vector<2000x128xf32>
    %get3A_58 = arith.constant 0 : index
    %get3A_59 = arith.constant 0 : index
    %get3A_60 = vector.load %arg7[%get3A_58, %get3A_59] : memref<1x128xf32, #tpu.memory_space<vmem>>, vector<1x128xf32>
    %add3A_61 = vector.broadcast %get3A_60 : vector<1x128xf32> to vector<2000x128xf32>
    %add3A_62 = arith.addf %mul3A_57, %add3A_61 : vector<2000x128xf32>
    %max3A = arith.constant 0.000000e+00 : f32
    %max3A_63 = vector.broadcast %max3A : f32 to vector<2000x128xf32>
    %max3A_64 = arith.maximumf %add3A_62, %max3A_63 : vector<2000x128xf32>
    %swap3A = arith.constant 0 : index
    %swap3A_65 = arith.constant 0 : index
    %swap3A_66 = vector.load %arg8[%swap3A, %swap3A_65] : memref<2000x128xf32, #tpu.memory_space<vmem>>, vector<2000x128xf32>
    tpu.vector_store %arg8[%swap3A, %swap3A_65], %max3A_64 {strides = array<i32>} : memref<2000x128xf32, #tpu.memory_space<vmem>>, vector<2000x128xf32>,
    return
  }
  func.func @transform_0(%arg0: i32) -> (i32, i32) {
    %c0_i32 = arith.constant 0 : i32
    %c0_i32_0 = arith.constant 0 : i32
    return %arg0, %c0_i32 : i32, i32
  }
  func.func @transform_1(%arg0: i32) -> (i32, i32, i32) {
    %c0_i32 = arith.constant 0 : i32
    %c0_i32_0 = arith.constant 0 : i32
    %c0_i32_1 = arith.constant 0 : i32
    return %c0_i32, %arg0, %c0_i32_0 : i32, i32, i32
  }
  func.func @transform_2(%arg0: i32) -> (i32, i32) {
    %c0_i32 = arith.constant 0 : i32
    %c0_i32_0 = arith.constant 0 : i32
    return %arg0, %c0_i32 : i32, i32
  }
  func.func @transform_3(%arg0: i32) -> (i32, i32) {
    %c0_i32 = arith.constant 0 : i32
    %c0_i32_0 = arith.constant 0 : i32
    %c0_i32_1 = arith.constant 0 : i32
    return %c0_i32, %c0_i32_0 : i32, i32
  }
  func.func @transform_4(%arg0: i32) -> (i32, i32) {
    %c0_i32 = arith.constant 0 : i32
    %c0_i32_0 = arith.constant 0 : i32
    %c0_i32_1 = arith.constant 0 : i32
    return %c0_i32, %c0_i32_0 : i32, i32
  }
  func.func @transform_5(%arg0: i32) -> (i32, i32) {
    %c0_i32 = arith.constant 0 : i32
    %c0_i32_0 = arith.constant 0 : i32
    %c0_i32_1 = arith.constant 0 : i32
    return %c0_i32, %c0_i32_0 : i32, i32
  }
  func.func @transform_6(%arg0: i32) -> (i32, i32) {
    %c0_i32 = arith.constant 0 : i32
    %c0_i32_0 = arith.constant 0 : i32
    %c0_i32_1 = arith.constant 0 : i32
    return %c0_i32, %c0_i32_0 : i32, i32
  }
  func.func @transform_7(%arg0: i32) -> (i32, i32) {
    %c0_i32 = arith.constant 0 : i32
    %c0_i32_0 = arith.constant 0 : i32
    return %arg0, %c0_i32 : i32, i32
  }
}

</mosaic_0001>

<sc_bundles>
// kernel: kernel.6.cloned.1.call-start
scs
__scs_entry_jumppad:
0x0: {  	(pc) =	sbr.rel $0x88, $3  }
0x1: {  	(tag) =	ssettag $0x0;
	lr =	simm.s32 $0x1  }
0x2: {  	[smem:$0x3F9B] =	sst lr;
	_ =	strace $0xD0000000  }
0x3: {  	_ = 	snop  }
0x4: {  	_ = 	snop  }
0x5: {  	_ = 	snop  }
0x6: {  	_ = 	snop  }
0x7: {  	_ = 	snop  }
__scs_overlays_trampoline_lowered:
0x8: {  	[smem:$0x3FAA] =	sst s0  }
0x9: {  	[smem:$0x3FAB] =	sst s1  }
0xa: {  	[smem:$0x3FAC] =	sst s2  }
0xb: {  	[smem:$0x3FAD] =	sst s3  }
0xc: {  	[smem:$0x3FAE] =	sst s4  }
0xd: {  	[smem:$0x3FAF] =	sst s5  }
0xe: {  	[smem:$0x3FB0] =	sst s6  }
0xf: {  	[smem:$0x3FB1] =	sst s7  }
0x10: {  	[smem:$0x3FB2] =	sst s8  }
0x11: {  	[smem:$0x3FB3] =	sst s9;
	s0 =	simm.s32 @!p0 $0x0  }
0x12: {  	s1 =	sld [smem:$0x3F99];
	s0 =	simm.s32 @p0 $0x1  }
0x13: {  	[smem:$0x3FB4] =	sst s0;
	s0 =	simm.s32 @!p1 $0x0  }
0x14: {  	s2 =	sld [smem:$0x3F98];
	s0 =	simm.s32 @p1 $0x1  }
0x15: {  	[smem:$0x3FB5] =	sst s0;
	s0 =	simm.s32 @!p2 $0x0  }
0x16: {  	s3 =	sld [smem:$0x3FDB];
	s0 =	simm.s32 @p2 $0x1  }
0x17: {  	s4 =	simm.s32 $0x1BF5;
	[smem:$0x3FB7] =	sst s0  }
0x18: {  	s0 =	sld [smem:$0x3F9A];
	_ =	swait.ge [sflag:s4], $0x0  }
0x19: {  	s7 =	sld [smem:$0x3F9B]  }
0x1a: {  	s8 =	sadd.s32 $0xFFFFE003, lr  }
0x1b: {  	s9 =	sadd.s32 $0xFFFFFEF7, lr;
	s5 =	simm.s32 $0xFFFFFFFF;
	p2 =	slt.u32 s8, $0xFFFFF086  }
0x1c: {  	p1 =	slt.u32 s9, $0xF7A;
	s5 =	simm.s32 @!p2 $0x0  }
0x1d: {  	s5 =	simm.s32 @p1 $0x1;
	p0 =	seq.s32 s7, s2  }
0x1e: {  	s7 =	smul.u32 @!p0 $0xF7A, s2;
	p2 =	seq.s32 @!p0 s5, $0x0  }
0x1f: {  	s9 =	smul.u32 $0xF7A, s1;
	s8 =	simm.s32 @!p0 $0x1BF5;
	p2 =	por !p2, p0  }
0x20: {  	[sflag:s8] =	ssyncset.s32 @!p0 $0xFFFFF086;
	s6 =	sadd.s32 @!p0 s3, s7;
	s7 =	simm.s32 @!p0 $0x108  }
0x21: {  	s3 =	sadd.s32 s3, s9;
	s6 =	sadd.s32 @!p0 $0x88, s6;
	s7 =	simm.s32 @p2 $0x1082  }
0x22: {  	[simem:s7], [sflag:s8] =	dma.local @!p0 [hbm:s6], $0xF7A  }
0x23: {  	s9 =	sor.u32 $0xD0000000, s2;
	s6 =	simm.s32 $0x108;
	_ =	swait.ge @!p0 [sflag:s8], $0x0  }
0x24: {  	s3 =	sadd.s32 $0x88, s3;
	s6 =	simm.s32 @!p1 $0x1082;
	[sflag:s4] =	ssyncset.s32 $0xFFFFF086  }
0x25: {  	[simem:s6], [sflag:s4] =	dma.local [hbm:s3], $0xF7A  }
0x26: {  	[smem:$0x3F9B] =	sst s1;
	(tag) =	ssettag s2;
	_ =	strace s9  }
0x27: {  	s1 =	sld [smem:$0x3FAB]  }
0x28: {  	s2 =	sld [smem:$0x3FAC]  }
0x29: {  	s4 =	sld [smem:$0x3FAE]  }
0x2a: {  	p0 =	seq.s32 s5, $0x0;
	s5 =	sld [smem:$0x3FAF]  }
0x2b: {  	s6 =	sld [smem:$0x3FB0]  }
0x2c: {  	s7 =	sld [smem:$0x3FB1]  }
0x2d: {  	s3 =	simm.s32 $0x108;
	s8 =	sld [smem:$0x3FB2]  }
0x2e: {  	s3 =	simm.s32 @!p0 $0x1082;
	s9 =	sld [smem:$0x3FB3]  }
0x2f: {  	lr =	sadd.s32 s0, s3;
	s0 =	sld [smem:$0x3FAA]  }
0x30: {  	s3 =	sld [smem:$0x3FAD]  }
0x31: {  	[smem:$0x3FB6] =	sst s10  }
0x32: {  	s10 =	sld [smem:$0x3FB4];
	_ =	sdelay $0x3  }
0x33: {  	p0 =	seq.s32 s10, $0x1;
	s10 =	sld [smem:$0x3FB6];
	_ =	sdelay $0x3  }
0x34: {  	[smem:$0x3FB6] =	sst s10  }
0x35: {  	s10 =	sld [smem:$0x3FB5];
	_ =	sdelay $0x3  }
0x36: {  	p1 =	seq.s32 s10, $0x1;
	s10 =	sld [smem:$0x3FB6];
	_ =	sdelay $0x3  }
0x37: {  	[smem:$0x3FB6] =	sst s10  }
0x38: {  	s10 =	sld [smem:$0x3FB7]  }
0x39: {  	_ = 	snop;
	(pc) =	sbr.ind lr, $3  }
0x3a: {  	_ = 	snop  }
0x3b: {  	_ = 	snop  }
0x3c: {  	p2 =	seq.s32 s10, $0x1;
	s10 =	sld [smem:$0x3FB6]  }
0x3d: {  	_ =	shalt  }
0x3e: {  	_ =	shalt  }
0x3f: {  	_ =	shalt  }
0x40: {  	_ =	shalt  }
0x41: {  	_ =	shalt  }
0x42: {  	_ =	shalt  }
0x43: {  	_ =	shalt  }
0x44: {  	_ =	shalt  }
0x45: {  	_ =	shalt  }
0x46: {  	_ =	shalt  }
0x47: {  	_ =	shalt  }
0x48: {  	_ =	shalt  }
0x49: {  	_ =	shalt  }
0x4a: {  	_ =	shalt  }
0x4b: {  	_ =	shalt  }
0x4c: {  	_ =	shalt  }
0x4d: {  	_ =	shalt  }
0x4e: {  	_ =	shalt  }
0x4f: {  	_ =	shalt  }
0x50: {  	_ =	shalt  }
0x51: {  	_ =	shalt  }
0x52: {  	_ =	shalt  }
0x53: {  	_ =	shalt  }
0x54: {  	_ =	shalt  }
0x55: {  	_ =	shalt  }
0x56: {  	_ =	shalt  }
0x57: {  	_ =	shalt  }
0x58: {  	_ =	shalt  }
0x59: {  	_ =	shalt  }
0x5a: {  	_ =	shalt  }
0x5b: {  	_ =	shalt  }
0x5c: {  	_ =	shalt  }
0x5d: {  	_ =	shalt  }
0x5e: {  	_ =	shalt  }
0x5f: {  	_ =	shalt  }
0x60: {  	_ =	shalt  }
0x61: {  	_ =	shalt  }
0x62: {  	_ =	shalt  }
0x63: {  	_ =	shalt  }
0x64: {  	_ =	shalt  }
0x65: {  	_ =	shalt  }
0x66: {  	_ =	shalt  }
0x67: {  	_ =	shalt  }
0x68: {  	_ =	shalt  }
0x69: {  	_ =	shalt  }
0x6a: {  	_ =	shalt  }
0x6b: {  	_ =	shalt  }
0x6c: {  	_ =	shalt  }
0x6d: {  	_ =	shalt  }
0x6e: {  	_ =	shalt  }
0x6f: {  	_ =	shalt  }
0x70: {  	_ =	shalt  }
0x71: {  	_ =	shalt  }
0x72: {  	_ =	shalt  }
0x73: {  	_ =	shalt  }
0x74: {  	_ =	shalt  }
0x75: {  	_ =	shalt  }
0x76: {  	_ =	shalt  }
0x77: {  	_ =	shalt  }
0x78: {  	_ =	shalt  }
0x79: {  	_ =	shalt  }
0x7a: {  	_ =	shalt  }
0x7b: {  	_ =	shalt  }
0x7c: {  	_ =	shalt  }
0x7d: {  	_ =	shalt  }
0x7e: {  	_ =	shalt  }
0x7f: {  	_ =	shalt  }
0x80: {  	_ =	shalt  }
0x81: {  	_ =	shalt  }
0x82: {  	_ =	shalt  }
0x83: {  	_ =	shalt  }
0x84: {  	_ =	shalt  }
0x85: {  	_ =	shalt  }
0x86: {  	_ =	shalt  }
0x87: {  	_ =	shalt  }
.Lfunc_end0:
.L_simem_size_0:
called_computation_lowered:
.L_overlay_start_0:
0x88: {  	s2 =	sld [smem:$0x3FD9]  }
0x89: {  	s3 =	sld [smem:$0x3FFE];
	_ =	sdelay $0x1  }
0x8a: {  	s1 =	srdreg.scid  }
0x8b: {  	s0 =	sand.u32 $0x1, s1  }
0x8c: {  	s17 =	sshll.u32 s0, $0xA;
	s2 =	sadd.s32 s3, s2  }
0x8d: {  	s2 =	sadd.s32 s2, s17  }
0x8e: {  	[smem:$0x3FC2] =	sst s2  }
0x8f: {  	_ = 	snop  }
0x90: {  	s2 =	sld [smem:$0x3FD0];
	(tm) =	ssettm $0x1  }
0x91: {  	s18 =	sld [smem:$0x3FFB];
	_ =	sdelay $0x3  }
0x92: {  	_ =	strace s18  }
0x93: {  	s3 =	sld [smem:$0x3FFC];
	_ =	sdelay $0x3  }
0x94: {  	_ =	strace s3  }
0x95: {  	s3 =	sld [smem:$0x3FFD];
	_ =	sdelay $0x3  }
0x96: {  	_ =	strace s3  }
0x97: {  	_ =	strace $0x8FFFFFFF  }
0x98: {  	s19 =	sld [smem:$0x3FDB];
	_ =	sdelay $0x1  }
0x99: {  	s4 =	simm.s32 $_scs_section_size  }
0x9a: {  	s5 =	simm.s32 $_size__tile_overlayer_lowered;
	s6 =	simm.s32 $_tile_overlayer_lowered  }
0x9b: {  	s22 =	simm.s32 $0x1BFF;
	s21 =	sshll.u32 s6, $0x1;
	s3 =	sadd.s32 s4, s19  }
0x9c: {  	s7 =	simm.s32 $0x0;
	s20 =	sshll.u32 s5, $0x1;
	s5 =	sadd.s32 s21, s3  }
0x9d: {  	[timem:s7], [sflag:s22] =	dma.local [hbm:s5], s20  }
0x9e: {  	_ =	swait.ge [sflag:s22], s20  }
0x9f: {  	s4 =	ssub.s32 $0x0, s20;
	[sflag:s22] =	ssyncset.done $0x0  }
0xa0: {  	[sflag:s22] =	ssyncadd.s32 s4;
	_ =	sdelay $0x1  }
0xa1: {  	s23 =	simm.s32 $0x1B8B  }
0xa2: {  	_ =	swait.ge [sflag:s23], $0x1  }
0xa3: {  	[sflag:s23] =	ssyncset.done $0x0  }
0xa4: {  	s25 =	simm.s32 $0x1B8E;
	s24 =	sld [smem:$0x3FFE];
	[sflag:s23] =	ssyncadd.s32 $0xFFFFFFFF  }
0xa5: {  	s26 =	simm.s32 $execute0_lowered;
	[smem:$0x3FD2] =	sst s25  }
0xa6: {  	s5 =	sshll.u32 s26, $0x1;
	_ =	strace $0x80000046;
	[dreg:$0x1] =	wrdreg $0xFFFFFFFF  }
0xa7: {  	s28 =	simm.s32 $_size_execute0_lowered;
	s3 =	sadd.s32 s3, s5;
	[dreg:$0x0] =	wrdreg $0x0  }
0xa8: {  	s5 =	sshll.u32 s28, $0x1;
	[dreg:$0x2] =	wrdreg s3  }
0xa9: {  	[dreg:$0x3] =	wrdreg s5  }
0xaa: {  	[dreg:$0x4] =	wrdreg $0xC0  }
0xab: {  	_ =	task [dreg:s7], $0x5FFFF  }
0xac: {  	[dreg:$0x1] =	wrdreg $0xFFFFFFFF  }
0xad: {  	[dreg:$0x0] =	wrdreg $0x60  }
0xae: {  	[dreg:$0x2] =	wrdreg s2  }
0xaf: {  	[dreg:$0x3] =	wrdreg s24  }
0xb0: {  	[dreg:$0x4] =	wrdreg $0x40800  }
0xb1: {  	[dreg:$0x5] =	wrdreg $0x9  }
0xb2: {  	_ =	task.clear_ibuf [dreg:s7], $0x6FFFF;
	_ =	strace $0x90000046  }
0xb3: {  	s29 =	simm.s32 $0x9;
	_ =	strace $0x80000048  }
0xb4: {  	_ =	swait.ge [sflag:s29], $0x1  }
0xb5: {  	[sflag:s29] =	ssyncadd.s32 $0xFFFFFFFF  }
0xb6: {  	_ =	strace $0x90000048  }
0xb7: {  	_ =	sfence  }
0xb8: {  	s30 =	sld [smem:$0x0];
	_ =	sdelay $0x2  }
0xb9: {  	s31 =	sshll.u32 s1, $0xD;
	s1 =	sshrl.u32 s1, $0x2  }
0xba: {  	s3 =	sand.u32 $0x4000, s31;
	s1 =	sadd.s32 s1, s30  }
0xbb: {  	s0 =	sor.u32 s3, s0;
	s1 =	sshll.u32 s1, $0x11  }
0xbc: {  	s0 =	sor.u32 s1, s0  }
0xbd: {  	s0 =	sadd.s32 $0x8F2B, s0  }
0xbe: {  	[sflag:s0] =	ssyncadd.remote.s32 $0x1  }
0xbf: {  	_ =	sfence.sel $0xFFFF  }
0xc0: {  	[dreg:$0x0] =	wrdreg $0xFFFFFFFF;
	(pc) =	sbr.abs _section_cstart, $3  }
0xc1: {  	[dreg:$0x1] =	wrdreg $0xFFFFFFFF  }
0xc2: {  	_ =	task.clear_ibuf [dreg:s7], $0x2FFFF;
	_ =	strace $0x9FFFFFFF  }
0xc3: {  	(tm) =	ssettm $0x7FFFFFFF  }
tec
execute0_lowered:
.L_overlay_start_1:
0x0: {  	(tag) =	ssettag $0x1  }
0x1: {  	s4 =	rddreg [dreg:$0x0]  }
0x2: {  	s5 =	rddreg [dreg:$0x1]  }
0x3: {  	s1 =	rddreg [dreg:$0x2]  }
0x4: {  	s0 =	rddreg [dreg:$0x3];
	s2 =	simm.s32 $0x0  }
0x5: {  	s3 =	srdreg.scid;
	s8 =	stileid.u32;
	s12 =	simm.s32 $0x0  }
0x6: {  	[smem:$0x7FF] =	sst s2;
	s6 =	sand.u32 $0x1, s3;
	s3 =	sadd.s32 $0x1400, s5  }
0x7: {  	s11 =	sshll.u32 s8, $0xC;
	p0 =	sne.s32 s8, $0x0;
	s8 =	simm.s32 $0x2  }
0x8: {  	s7 =	sshll.u32 s6, $0x4;
	s9 =	ssub.s32 $0x2, s6;
	s6 =	sshll.u32 s6, $0xB  }
0x9: {  	_ =	strace $0x80000047;
	s10 =	sshrl.u32 s9, $0x1;
	s4 =	sadd.s32 s4, s6  }
0xa: {  	s5 =	sadd.s32 s7, s5;
	s7 =	sshrl.u32 @!p0 s1, $0x3;
	s31 =	ssub.s32 s9, s10  }
0xb: {  	s4 =	sadd.s32 s11, s4;
	s5 =	sadd.s32 $0x1A00, s5;
	s9 =	simm.s32 $0x50  }
0xc: {  	v0 =	vimm.f32 $1.000000000e+00;
	s10 =	simm.s32 $0x4000;
	s11 =	simm.s32 $0x1;
	s6 =	smax.u32 s31, $0x1  }
.LBB2_1:
0xd: {  	[tilespmem:$0x4000] =	vst v0  }
0xe: {  	[tilespmem:$0x4010] =	vst v0  }
0xf: {  	[tilespmem:$0x4020] =	vst v0  }
0x10: {  	[tilespmem:$0x4030] =	vst v0  }
0x11: {  	[tilespmem:$0x4040] =	vst v0;
	s13 =	simm.s32 @!p0 $0x1C02  }
0x12: {  	[spmem:s7], [sflag:s13] =	dma.local @!p0 [hbm:s3], $0x500  }
0x13: {  	s13 =	simm.s32 @!p0 $0x2  }
0x14: {  	_ =	swait.ge @!p0 [sflag:s13], $0x500  }
0x15: {  	[sflag:s13] =	ssyncset.done @!p0 $0x0  }
0x16: {  	[sflag:s13] =	ssyncadd.s32 @!p0 $0xFFFFFB00  }
0x17: {  	[tilespmem:s2], [sflag:$0x2] =	stream.linear.gather [hbm4b:s4+s2], $0x3E80, $0x38;
	[tilespmem:$0x4300] =	vst v63  }
0x18: {  	_ =	swait.ge [sflag:s8], $0x3E80  }
0x19: {  	[sflag:s8] =	ssyncset.done $0x0  }
0x1a: {  	[sflag:s8] =	ssyncadd.s32 $0xFFFFC180  }
0x1b: {  	s26 =	simm.s32 $0x0;
	[bflag:$0x0] =	sbarrier.arrive $0xFFFF  }
0x1c: {  	[spmem:s1] =	stream.indirect.scatter.add.f32 [tilespmem:s10], [sflag:$0x1], $0x1, s26, s9, $0xb8;
	[tilespmem:$0x4300] =	vst v63  }
0x1d: {  	s28 =	simm.s32 $0x80  }
0x1e: {  	[spmem:s1] =	stream.indirect.scatter.add.f32 [tilespmem:s10], [sflag:$0x1], $0x1, s28, s9, $0xb8;
	[tilespmem:$0x4300] =	vst v63  }
0x1f: {  	s29 =	simm.s32 $0x100  }
0x20: {  	[spmem:s1] =	stream.indirect.scatter.add.f32 [tilespmem:s10], [sflag:$0x1], $0x1, s29, s9, $0xb8;
	[tilespmem:$0x4300] =	vst v63  }
0x21: {  	s30 =	simm.s32 $0x180  }
0x22: {  	[spmem:s1] =	stream.indirect.scatter.add.f32 [tilespmem:s10], [sflag:$0x1], $0x1, s30, s9, $0xb8;
	[tilespmem:$0x4300] =	vst v63  }
0x23: {  	s31 =	simm.s32 $0x200  }
0x24: {  	[spmem:s1] =	stream.indirect.scatter.add.f32 [tilespmem:s10], [sflag:$0x1], $0x1, s31, s9, $0xb8;
	[tilespmem:$0x4300] =	vst v63  }
0x25: {  	_ =	swait.ge [sflag:s11], $0x50  }
0x26: {  	[sflag:s11] =	ssyncset.done $0x0  }
0x27: {  	[sflag:s11] =	ssyncadd.s32 $0xFFFFFFB0  }
0x28: {  	_ =	swait.ge [sflag:s11], $0x50  }
0x29: {  	[sflag:s11] =	ssyncset.done $0x0  }
0x2a: {  	[sflag:s11] =	ssyncadd.s32 $0xFFFFFFB0  }
0x2b: {  	_ =	swait.ge [sflag:s11], $0x50  }
0x2c: {  	[sflag:s11] =	ssyncset.done $0x0  }
0x2d: {  	[sflag:s11] =	ssyncadd.s32 $0xFFFFFFB0  }
0x2e: {  	_ =	swait.ge [sflag:s11], $0x50  }
0x2f: {  	[sflag:s11] =	ssyncset.done $0x0  }
0x30: {  	[sflag:s11] =	ssyncadd.s32 $0xFFFFFFB0  }
0x31: {  	_ =	swait.ge [sflag:s11], $0x50  }
0x32: {  	s14 =	simm.s32 $0x1400;
	s13 =	simm.s32 $0xA00;
	[sflag:s11] =	ssyncset.done $0x0  }
.LBB2_2:
0x33: {  	s15 =	sshra.s32 s13, $0x2  }
0x34: {  	[sflag:s11] =	ssyncadd.s32 $0xFFFFFFB0;
	s13 =	smov.u32 s14;
	s16 =	sadd.s32 $0xA00, s14  }
0x35: {  	[spmem:s1] =	stream.indirect.scatter.add.f32 [tilespmem:s10], [sflag:$0x1], $0x1, s15, s9, $0xb8;
	[tilespmem:$0x4300] =	vst v63  }
0x36: {  	p1 =	sne.s32 s14, $0xF000;
	s14 =	sadd.s32 $0x80, s15  }
0x37: {  	[spmem:s1] =	stream.indirect.scatter.add.f32 [tilespmem:s10], [sflag:$0x1], $0x1, s14, s9, $0xb8;
	[tilespmem:$0x4300] =	vst v63  }
0x38: {  	s14 =	sadd.s32 $0x100, s15  }
0x39: {  	[spmem:s1] =	stream.indirect.scatter.add.f32 [tilespmem:s10], [sflag:$0x1], $0x1, s14, s9, $0xb8;
	[tilespmem:$0x4300] =	vst v63  }
0x3a: {  	s14 =	sadd.s32 $0x180, s15  }
0x3b: {  	[spmem:s1] =	stream.indirect.scatter.add.f32 [tilespmem:s10], [sflag:$0x1], $0x1, s14, s9, $0xb8;
	[tilespmem:$0x4300] =	vst v63  }
0x3c: {  	s14 =	sadd.s32 $0x200, s15  }
0x3d: {  	[spmem:s1] =	stream.indirect.scatter.add.f32 [tilespmem:s10], [sflag:$0x1], $0x1, s14, s9, $0xb8;
	[tilespmem:$0x4300] =	vst v63  }
0x3e: {  	_ =	swait.ge [sflag:s11], $0x50  }
0x3f: {  	[sflag:s11] =	ssyncset.done $0x0  }
0x40: {  	[sflag:s11] =	ssyncadd.s32 $0xFFFFFFB0  }
0x41: {  	_ =	swait.ge [sflag:s11], $0x50  }
0x42: {  	[sflag:s11] =	ssyncset.done $0x0  }
0x43: {  	[sflag:s11] =	ssyncadd.s32 $0xFFFFFFB0  }
0x44: {  	_ =	swait.ge [sflag:s11], $0x50  }
0x45: {  	[sflag:s11] =	ssyncset.done $0x0  }
0x46: {  	[sflag:s11] =	ssyncadd.s32 $0xFFFFFFB0  }
.Ltmp0:
0x47: {  	_ =	swait.ge [sflag:s11], $0x50;
	(pc) =	sbr.rel @p1 .LBB2_2-.Ltmp0, $4  }
0x48: {  	[sflag:s11] =	ssyncset.done $0x0  }
0x49: {  	[sflag:s11] =	ssyncadd.s32 $0xFFFFFFB0  }
0x4a: {  	_ =	swait.ge [sflag:s11], $0x50  }
0x4b: {  	s14 =	smov.u32 s16;
	[sflag:s11] =	ssyncset.done $0x0  }
0x4c: {  	s13 =	sshra.s32 s13, $0x2;
	[sflag:s11] =	ssyncadd.s32 $0xFFFFFFB0  }
0x4d: {  	[spmem:s1] =	stream.indirect.scatter.add.f32 [tilespmem:s10], [sflag:$0x1], $0x1, s13, s9, $0xb8;
	[tilespmem:$0x4300] =	vst v63  }
0x4e: {  	s14 =	sadd.s32 $0x80, s13  }
0x4f: {  	[spmem:s1] =	stream.indirect.scatter.add.f32 [tilespmem:s10], [sflag:$0x1], $0x1, s14, s9, $0xb8;
	[tilespmem:$0x4300] =	vst v63  }
0x50: {  	s30 =	sadd.s32 $0x100, s13  }
0x51: {  	[spmem:s1] =	stream.indirect.scatter.add.f32 [tilespmem:s10], [sflag:$0x1], $0x1, s30, s9, $0xb8;
	[tilespmem:$0x4300] =	vst v63  }
0x52: {  	s31 =	sadd.s32 $0x180, s13  }
0x53: {  	[spmem:s1] =	stream.indirect.scatter.add.f32 [tilespmem:s10], [sflag:$0x1], $0x1, s31, s9, $0xb8;
	[tilespmem:$0x4300] =	vst v63  }
0x54: {  	s13 =	sadd.s32 $0x200, s13  }
0x55: {  	[spmem:s1] =	stream.indirect.scatter.add.f32 [tilespmem:s10], [sflag:$0x1], $0x1, s13, s9, $0xb8;
	[tilespmem:$0x4300] =	vst v63  }
0x56: {  	_ =	swait.ge [sflag:s11], $0x50  }
0x57: {  	[sflag:s11] =	ssyncset.done $0x0  }
0x58: {  	[sflag:s11] =	ssyncadd.s32 $0xFFFFFFB0  }
0x59: {  	_ =	swait.ge [sflag:s11], $0x50  }
0x5a: {  	[sflag:s11] =	ssyncset.done $0x0  }
0x5b: {  	[sflag:s11] =	ssyncadd.s32 $0xFFFFFFB0  }
0x5c: {  	_ =	swait.ge [sflag:s11], $0x50  }
0x5d: {  	[sflag:s11] =	ssyncset.done $0x0  }
0x5e: {  	[sflag:s11] =	ssyncadd.s32 $0xFFFFFFB0  }
0x5f: {  	_ =	swait.ge [sflag:s11], $0x50  }
0x60: {  	[sflag:s11] =	ssyncset.done $0x0  }
0x61: {  	[sflag:s11] =	ssyncadd.s32 $0xFFFFFFB0  }
0x62: {  	_ =	swait.ge [sflag:s11], $0x50  }
0x63: {  	s15 =	simm.s32 @!p0 $0x10;
	s12 =	sadd.s32 $0x1, s12;
	[sflag:s11] =	ssyncset.done $0x0  }
0x64: {  	s16 =	simm.s32 @!p0 $0x1C02;
	p1 =	sne.s32 s12, s6;
	[sflag:s11] =	ssyncadd.s32 $0xFFFFFFB0  }
0x65: {  	s14 =	simm.s32 @!p0 $0x20;
	s13 =	simm.s32 @!p0 $0x1;
	[bflag:$0x0] =	sbarrier.arrive $0xFFFF  }
0x66: {  	[hbm:s5@s14], [sflag:s16] =	dma.strided @!p0 [spmem:s7@s15], $0x500, s13, $0x10   }
.Ltmp1:
0x67: {  	_ = 	snop;
	(pc) =	sbr.rel @p1 .LBB2_1-.Ltmp1, $4  }
0x68: {  	s13 =	simm.s32 @!p0 $0x2  }
0x69: {  	_ =	swait.ge @!p0 [sflag:s13], $0x500  }
0x6a: {  	[sflag:s13] =	ssyncset.done @!p0 $0x0  }
0x6b: {  	[sflag:s13] =	ssyncadd.s32 @!p0 $0xFFFFFB00  }
0x6c: {  	_ =	sfence.sel $0x180000  }
0x6d: {  	[bflag:$0x0] =	sbarrier.arrive $0xFFFF  }
0x6e: {  	_ =	strace $0x90000047  }
0x6f: {  	s0 =	sadd.s32 @!p0 $0x100000, s0;
	[bflag:$0x2] =	sbarrier.arrive $0xFFFF  }
0x70: {  	[sflag:s0] =	ssyncadd.tile.s32 @!p0 $0x1;
	_ =	shalt  }
.Lfunc_end2:
_tile_overlayer_lowered:
.L_overlay_start_2:
0x71: {  	(tag) =	ssettag $0x2  }
0x72: {  	s0 =	rddreg [dreg:$0x0];
	s2 =	stileid.u32  }
0x73: {  	s1 =	rddreg [dreg:$0x1];
	p0 =	sne.s32 s2, $0x0  }
0x74: {  	s3 =	rddreg [dreg:$0x2];
	[bflag:$0x3] =	sbarrier.arrive $0xFFFF;
	s2 =	simm.s32 @!p0 $0x1C02  }
0x75: {  	[timem:s3], [sflag:s2] =	dma.local @!p0 [hbm:s0], s1  }
0x76: {  	s0 =	simm.s32 @!p0 $0x2  }
0x77: {  	_ =	swait.ge @!p0 [sflag:s0], s1  }
0x78: {  	s1 =	ssub.s32 @!p0 $0x0, s1;
	[sflag:s0] =	ssyncset.done @!p0 $0x0  }
0x79: {  	[sflag:s0] =	ssyncadd.s32 @!p0 s1  }
0x7a: {  	[bflag:$0x3] =	sbarrier.arrive $0xFFFF  }
0x7b: {  	_ =	shalt  }

// kernel: kernel.9.cloned.1.call-start
scs
__scs_entry_jumppad:
0x0: {  	(pc) =	sbr.rel $0x88, $3  }
0x1: {  	(tag) =	ssettag $0x0;
	lr =	simm.s32 $0x1  }
0x2: {  	[smem:$0x3F9B] =	sst lr;
	_ =	strace $0xD0000000  }
0x3: {  	_ = 	snop  }
0x4: {  	_ = 	snop  }
0x5: {  	_ = 	snop  }
0x6: {  	_ = 	snop  }
0x7: {  	_ = 	snop  }
__scs_overlays_trampoline_lowered:
0x8: {  	[smem:$0x3FAA] =	sst s0  }
0x9: {  	[smem:$0x3FAB] =	sst s1  }
0xa: {  	[smem:$0x3FAC] =	sst s2  }
0xb: {  	[smem:$0x3FAD] =	sst s3  }
0xc: {  	[smem:$0x3FAE] =	sst s4  }
0xd: {  	[smem:$0x3FAF] =	sst s5  }
0xe: {  	[smem:$0x3FB0] =	sst s6  }
0xf: {  	[smem:$0x3FB1] =	sst s7  }
0x10: {  	[smem:$0x3FB2] =	sst s8  }
0x11: {  	[smem:$0x3FB3] =	sst s9;
	s0 =	simm.s32 @!p0 $0x0  }
0x12: {  	s1 =	sld [smem:$0x3F99];
	s0 =	simm.s32 @p0 $0x1  }
0x13: {  	[smem:$0x3FB4] =	sst s0;
	s0 =	simm.s32 @!p1 $0x0  }
0x14: {  	s2 =	sld [smem:$0x3F98];
	s0 =	simm.s32 @p1 $0x1  }
0x15: {  	[smem:$0x3FB5] =	sst s0;
	s0 =	simm.s32 @!p2 $0x0  }
0x16: {  	s3 =	sld [smem:$0x3FDB];
	s0 =	simm.s32 @p2 $0x1  }
0x17: {  	s4 =	simm.s32 $0x1BF5;
	[smem:$0x3FB7] =	sst s0  }
0x18: {  	s0 =	sld [smem:$0x3F9A];
	_ =	swait.ge [sflag:s4], $0x0  }
0x19: {  	s7 =	sld [smem:$0x3F9B]  }
0x1a: {  	s8 =	sadd.s32 $0xFFFFE003, lr  }
0x1b: {  	s9 =	sadd.s32 $0xFFFFFEF7, lr;
	s5 =	simm.s32 $0xFFFFFFFF;
	p2 =	slt.u32 s8, $0xFFFFF086  }
0x1c: {  	p1 =	slt.u32 s9, $0xF7A;
	s5 =	simm.s32 @!p2 $0x0  }
0x1d: {  	s5 =	simm.s32 @p1 $0x1;
	p0 =	seq.s32 s7, s2  }
0x1e: {  	s7 =	smul.u32 @!p0 $0xF7A, s2;
	p2 =	seq.s32 @!p0 s5, $0x0  }
0x1f: {  	s9 =	smul.u32 $0xF7A, s1;
	s8 =	simm.s32 @!p0 $0x1BF5;
	p2 =	por !p2, p0  }
0x20: {  	[sflag:s8] =	ssyncset.s32 @!p0 $0xFFFFF086;
	s6 =	sadd.s32 @!p0 s3, s7;
	s7 =	simm.s32 @!p0 $0x108  }
0x21: {  	s3 =	sadd.s32 s3, s9;
	s6 =	sadd.s32 @!p0 $0x88, s6;
	s7 =	simm.s32 @p2 $0x1082  }
0x22: {  	[simem:s7], [sflag:s8] =	dma.local @!p0 [hbm:s6], $0xF7A  }
0x23: {  	s9 =	sor.u32 $0xD0000000, s2;
	s6 =	simm.s32 $0x108;
	_ =	swait.ge @!p0 [sflag:s8], $0x0  }
0x24: {  	s3 =	sadd.s32 $0x88, s3;
	s6 =	simm.s32 @!p1 $0x1082;
	[sflag:s4] =	ssyncset.s32 $0xFFFFF086  }
0x25: {  	[simem:s6], [sflag:s4] =	dma.local [hbm:s3], $0xF7A  }
0x26: {  	[smem:$0x3F9B] =	sst s1;
	(tag) =	ssettag s2;
	_ =	strace s9  }
0x27: {  	s1 =	sld [smem:$0x3FAB]  }
0x28: {  	s2 =	sld [smem:$0x3FAC]  }
0x29: {  	s4 =	sld [smem:$0x3FAE]  }
0x2a: {  	p0 =	seq.s32 s5, $0x0;
	s5 =	sld [smem:$0x3FAF]  }
0x2b: {  	s6 =	sld [smem:$0x3FB0]  }
0x2c: {  	s7 =	sld [smem:$0x3FB1]  }
0x2d: {  	s3 =	simm.s32 $0x108;
	s8 =	sld [smem:$0x3FB2]  }
0x2e: {  	s3 =	simm.s32 @!p0 $0x1082;
	s9 =	sld [smem:$0x3FB3]  }
0x2f: {  	lr =	sadd.s32 s0, s3;
	s0 =	sld [smem:$0x3FAA]  }
0x30: {  	s3 =	sld [smem:$0x3FAD]  }
0x31: {  	[smem:$0x3FB6] =	sst s10  }
0x32: {  	s10 =	sld [smem:$0x3FB4];
	_ =	sdelay $0x3  }
0x33: {  	p0 =	seq.s32 s10, $0x1;
	s10 =	sld [smem:$0x3FB6];
	_ =	sdelay $0x3  }
0x34: {  	[smem:$0x3FB6] =	sst s10  }
0x35: {  	s10 =	sld [smem:$0x3FB5];
	_ =	sdelay $0x3  }
0x36: {  	p1 =	seq.s32 s10, $0x1;
	s10 =	sld [smem:$0x3FB6];
	_ =	sdelay $0x3  }
0x37: {  	[smem:$0x3FB6] =	sst s10  }
0x38: {  	s10 =	sld [smem:$0x3FB7]  }
0x39: {  	_ = 	snop;
	(pc) =	sbr.ind lr, $3  }
0x3a: {  	_ = 	snop  }
0x3b: {  	_ = 	snop  }
0x3c: {  	p2 =	seq.s32 s10, $0x1;
	s10 =	sld [smem:$0x3FB6]  }
0x3d: {  	_ =	shalt  }
0x3e: {  	_ =	shalt  }
0x3f: {  	_ =	shalt  }
0x40: {  	_ =	shalt  }
0x41: {  	_ =	shalt  }
0x42: {  	_ =	shalt  }
0x43: {  	_ =	shalt  }
0x44: {  	_ =	shalt  }
0x45: {  	_ =	shalt  }
0x46: {  	_ =	shalt  }
0x47: {  	_ =	shalt  }
0x48: {  	_ =	shalt  }
0x49: {  	_ =	shalt  }
0x4a: {  	_ =	shalt  }
0x4b: {  	_ =	shalt  }
0x4c: {  	_ =	shalt  }
0x4d: {  	_ =	shalt  }
0x4e: {  	_ =	shalt  }
0x4f: {  	_ =	shalt  }
0x50: {  	_ =	shalt  }
0x51: {  	_ =	shalt  }
0x52: {  	_ =	shalt  }
0x53: {  	_ =	shalt  }
0x54: {  	_ =	shalt  }
0x55: {  	_ =	shalt  }
0x56: {  	_ =	shalt  }
0x57: {  	_ =	shalt  }
0x58: {  	_ =	shalt  }
0x59: {  	_ =	shalt  }
0x5a: {  	_ =	shalt  }
0x5b: {  	_ =	shalt  }
0x5c: {  	_ =	shalt  }
0x5d: {  	_ =	shalt  }
0x5e: {  	_ =	shalt  }
0x5f: {  	_ =	shalt  }
0x60: {  	_ =	shalt  }
0x61: {  	_ =	shalt  }
0x62: {  	_ =	shalt  }
0x63: {  	_ =	shalt  }
0x64: {  	_ =	shalt  }
0x65: {  	_ =	shalt  }
0x66: {  	_ =	shalt  }
0x67: {  	_ =	shalt  }
0x68: {  	_ =	shalt  }
0x69: {  	_ =	shalt  }
0x6a: {  	_ =	shalt  }
0x6b: {  	_ =	shalt  }
0x6c: {  	_ =	shalt  }
0x6d: {  	_ =	shalt  }
0x6e: {  	_ =	shalt  }
0x6f: {  	_ =	shalt  }
0x70: {  	_ =	shalt  }
0x71: {  	_ =	shalt  }
0x72: {  	_ =	shalt  }
0x73: {  	_ =	shalt  }
0x74: {  	_ =	shalt  }
0x75: {  	_ =	shalt  }
0x76: {  	_ =	shalt  }
0x77: {  	_ =	shalt  }
0x78: {  	_ =	shalt  }
0x79: {  	_ =	shalt  }
0x7a: {  	_ =	shalt  }
0x7b: {  	_ =	shalt  }
0x7c: {  	_ =	shalt  }
0x7d: {  	_ =	shalt  }
0x7e: {  	_ =	shalt  }
0x7f: {  	_ =	shalt  }
0x80: {  	_ =	shalt  }
0x81: {  	_ =	shalt  }
0x82: {  	_ =	shalt  }
0x83: {  	_ =	shalt  }
0x84: {  	_ =	shalt  }
0x85: {  	_ =	shalt  }
0x86: {  	_ =	shalt  }
0x87: {  	_ =	shalt  }
.Lfunc_end0:
.L_simem_size_0:
called_computation.1_lowered:
.L_overlay_start_0:
0x88: {  	s2 =	sld [smem:$0x3FD9]  }
0x89: {  	s3 =	sld [smem:$0x3FFE];
	_ =	sdelay $0x1  }
0x8a: {  	s1 =	srdreg.scid  }
0x8b: {  	s0 =	sand.u32 $0x1, s1  }
0x8c: {  	s17 =	sshll.u32 s0, $0xA;
	s2 =	sadd.s32 s3, s2  }
0x8d: {  	s2 =	sadd.s32 s2, s17  }
0x8e: {  	[smem:$0x3FC2] =	sst s2  }
0x8f: {  	_ = 	snop  }
0x90: {  	s2 =	sld [smem:$0x3FD0];
	(tm) =	ssettm $0x1  }
0x91: {  	s18 =	sld [smem:$0x3FFB];
	_ =	sdelay $0x3  }
0x92: {  	_ =	strace s18  }
0x93: {  	s3 =	sld [smem:$0x3FFC];
	_ =	sdelay $0x3  }
0x94: {  	_ =	strace s3  }
0x95: {  	s3 =	sld [smem:$0x3FFD];
	_ =	sdelay $0x3  }
0x96: {  	_ =	strace s3  }
0x97: {  	_ =	strace $0x8FFFFFFF  }
0x98: {  	s19 =	sld [smem:$0x3FDB];
	_ =	sdelay $0x1  }
0x99: {  	s4 =	simm.s32 $_scs_section_size  }
0x9a: {  	s5 =	simm.s32 $_size__tile_overlayer_lowered;
	s6 =	simm.s32 $_tile_overlayer_lowered  }
0x9b: {  	s22 =	simm.s32 $0x1BFF;
	s21 =	sshll.u32 s6, $0x1;
	s3 =	sadd.s32 s4, s19  }
0x9c: {  	s7 =	simm.s32 $0x0;
	s20 =	sshll.u32 s5, $0x1;
	s5 =	sadd.s32 s21, s3  }
0x9d: {  	[timem:s7], [sflag:s22] =	dma.local [hbm:s5], s20  }
0x9e: {  	_ =	swait.ge [sflag:s22], s20  }
0x9f: {  	s4 =	ssub.s32 $0x0, s20;
	[sflag:s22] =	ssyncset.done $0x0  }
0xa0: {  	[sflag:s22] =	ssyncadd.s32 s4;
	_ =	sdelay $0x1  }
0xa1: {  	s23 =	simm.s32 $0x1B8B  }
0xa2: {  	_ =	swait.ge [sflag:s23], $0x1  }
0xa3: {  	[sflag:s23] =	ssyncset.done $0x0  }
0xa4: {  	s25 =	simm.s32 $0x1B8E;
	s24 =	sld [smem:$0x3FFE];
	[sflag:s23] =	ssyncadd.s32 $0xFFFFFFFF  }
0xa5: {  	s26 =	simm.s32 $execute0_lowered;
	[smem:$0x3FD2] =	sst s25  }
0xa6: {  	s5 =	sshll.u32 s26, $0x1;
	_ =	strace $0x80000049;
	[dreg:$0x1] =	wrdreg $0xFFFFFFFF  }
0xa7: {  	s28 =	simm.s32 $_size_execute0_lowered;
	s3 =	sadd.s32 s3, s5;
	[dreg:$0x0] =	wrdreg $0x0  }
0xa8: {  	s5 =	sshll.u32 s28, $0x1;
	[dreg:$0x2] =	wrdreg s3  }
0xa9: {  	[dreg:$0x3] =	wrdreg s5  }
0xaa: {  	[dreg:$0x4] =	wrdreg $0xC0  }
0xab: {  	_ =	task [dreg:s7], $0x5FFFF  }
0xac: {  	[dreg:$0x1] =	wrdreg $0xFFFFFFFF  }
0xad: {  	[dreg:$0x0] =	wrdreg $0x60  }
0xae: {  	[dreg:$0x2] =	wrdreg s24  }
0xaf: {  	[dreg:$0x3] =	wrdreg s2  }
0xb0: {  	[dreg:$0x4] =	wrdreg $0x90000  }
0xb1: {  	[dreg:$0x5] =	wrdreg $0x9  }
0xb2: {  	_ =	task.clear_ibuf [dreg:s7], $0x6FFFF;
	_ =	strace $0x90000049  }
0xb3: {  	s29 =	simm.s32 $0x9;
	_ =	strace $0x8000004B  }
0xb4: {  	_ =	swait.ge [sflag:s29], $0x1  }
0xb5: {  	[sflag:s29] =	ssyncadd.s32 $0xFFFFFFFF  }
0xb6: {  	_ =	strace $0x9000004B  }
0xb7: {  	_ =	sfence  }
0xb8: {  	s30 =	sld [smem:$0x0];
	_ =	sdelay $0x2  }
0xb9: {  	s31 =	sshll.u32 s1, $0xD;
	s1 =	sshrl.u32 s1, $0x2  }
0xba: {  	s3 =	sand.u32 $0x4000, s31;
	s1 =	sadd.s32 s1, s30  }
0xbb: {  	s0 =	sor.u32 s3, s0;
	s1 =	sshll.u32 s1, $0x11  }
0xbc: {  	s0 =	sor.u32 s1, s0  }
0xbd: {  	s0 =	sadd.s32 $0x8F2B, s0  }
0xbe: {  	[sflag:s0] =	ssyncadd.remote.s32 $0x1  }
0xbf: {  	_ =	sfence.sel $0xFFFF  }
0xc0: {  	[dreg:$0x0] =	wrdreg $0xFFFFFFFF;
	(pc) =	sbr.abs _section_cstart, $3  }
0xc1: {  	[dreg:$0x1] =	wrdreg $0xFFFFFFFF  }
0xc2: {  	_ =	task.clear_ibuf [dreg:s7], $0x2FFFF;
	_ =	strace $0x9FFFFFFF  }
0xc3: {  	(tm) =	ssettm $0x7FFFFFFF  }
tec
execute0_lowered:
.L_overlay_start_1:
0x0: {  	(tag) =	ssettag $0x1  }
0x1: {  	s5 =	rddreg [dreg:$0x0]  }
0x2: {  	s1 =	srdreg.scid;
	s2 =	rddreg [dreg:$0x1]  }
0x3: {  	s0 =	stileid.u32;
	s3 =	rddreg [dreg:$0x2]  }
0x4: {  	s4 =	simm.s32 $0x0;
	s14 =	simm.s32 $0x80;
	s15 =	simm.s32 $0x5000  }
0x5: {  	s16 =	simm.s32 $0x1;
	s17 =	simm.s32 $0x0;
	s8 =	smul.u32 $0x14000, s0  }
0x6: {  	s6 =	sand.u32 $0x1, s1;
	s26 =	sshll.u32 s0, $0x1;
	s29 =	smul.u32 $0x50000, s0  }
0x7: {  	[smem:$0x7FF] =	sst s4;
	s1 =	sor.u32 s6, s26;
	s9 =	smul.u32 $0x140000, s6  }
0x8: {  	s31 =	sshll.u32 s0, $0x6;
	s6 =	ssub.s32 $0x2, s6;
	s7 =	smul.u32 $0x500, s1  }
0x9: {  	s1 =	rddreg [dreg:$0x3];
	_ =	strace $0x8000004A;
	s28 =	sshrl.u32 s8, $0x3  }
0xa: {  	s11 =	sshrl.u32 s6, $0x1;
	s30 =	sshrl.u32 s29, $0x2;
	s8 =	sadd.s32 s8, s9  }
0xb: {  	s11 =	ssub.s32 s6, s11;
	s13 =	sadd.s32 s30, s3;
	s6 =	sor.u32 $0x1C02, s31  }
0xc: {  	s10 =	sadd.s32 s7, s5;
	s7 =	sadd.s32 s28, s5;
	s8 =	sshrl.u32 s8, $0x3  }
0xd: {  	s12 =	sadd.s32 s8, s5;
	s5 =	sadd.s32 $0x16400, s7;
	s7 =	sadd.s32 $0x2400, s10  }
0xe: {  	s8 =	sadd.s32 $0xC400, s10;
	s10 =	smax.u32 s11, $0x1;
	s11 =	sshrl.u32 s13, $0x3  }
0xf: {  	s13 =	simm.s32 $0x2800;
	s9 =	sadd.s32 $0x3E400, s12;
	s12 =	simm.s32 $0x2  }
.LBB2_1:
0x10: {  	[spmem:s11], [sflag:s6] =	dma.local [hbm:s5], $0x2800  }
0x11: {  	_ =	swait.ge [sflag:s12], $0x2800  }
0x12: {  	[sflag:s12] =	ssyncset.done $0x0  }
0x13: {  	[sflag:s12] =	ssyncadd.s32 $0xFFFFD800  }
0x14: {  	[tilespmem:s4], [sflag:$0x2] =	stream.linear.gather [hbm4b:s7+s4], $0x2780, $0x38;
	[tilespmem:$0x1D000] =	vst v63  }
0x15: {  	_ =	swait.ge [sflag:s12], $0x2780  }
0x16: {  	[sflag:s12] =	ssyncset.done $0x0  }
0x17: {  	[sflag:s12] =	ssyncadd.s32 $0xFFFFD880  }
0x18: {  	[tilespmem:s13], [sflag:$0x2] =	stream.linear.gather [hbm4b:s8+s4], $0x2780, $0x38;
	[tilespmem:$0x1D000] =	vst v63  }
0x19: {  	_ =	swait.ge [sflag:s12], $0x2780  }
0x1a: {  	[sflag:s12] =	ssyncset.done $0x0  }
0x1b: {  	[sflag:s12] =	ssyncadd.s32 $0xFFFFD880  }
0x1c: {  	s18 =	simm.s32 $0x0;
	[bflag:$0x0] =	sbarrier.arrive $0xFFFF  }
0x1d: {  	[tilespmem:s15], [sflag:$0x1] =	stream.indirect.gather [hbm4b:s2+s14], $0x80, s18, s14, $0xb8;
	[tilespmem:$0x1D000] =	vst v63  }
0x1e: {  	_ =	swait.ge [sflag:s16], $0x4000  }
0x1f: {  	[sflag:s16] =	ssyncset.done $0x0  }
0x20: {  	s31 =	simm.s32 $0x2800;
	[sflag:s16] =	ssyncadd.s32 $0xFFFFC000  }
0x21: {  	[spmem:s3] =	stream.indirect.scatter.add.f32 [tilespmem:s15], [sflag:$0x2], $0x80, s31, s14, $0xb8;
	[tilespmem:$0x1D000] =	vst v63  }
0x22: {  	_ =	swait.ge [sflag:s12], $0x4000  }
0x23: {  	s19 =	simm.s32 $0x400;
	s18 =	simm.s32 $0x200;
	[sflag:s12] =	ssyncset.done $0x0  }
.LBB2_2:
0x24: {  	s20 =	sshra.s32 s18, $0x2  }
0x25: {  	[sflag:s12] =	ssyncadd.s32 $0xFFFFC000;
	s18 =	smov.u32 s19;
	s21 =	sadd.s32 $0x200, s19  }
0x26: {  	[tilespmem:s15], [sflag:$0x1] =	stream.indirect.gather [hbm4b:s2+s14], $0x80, s20, s14, $0xb8;
	[tilespmem:$0x1D000] =	vst v63  }
0x27: {  	p0 =	sne.s32 s19, $0x9C00;
	_ =	swait.ge [sflag:s16], $0x4000  }
.Ltmp0:
0x28: {  	[sflag:s16] =	ssyncset.done $0x0;
	(pc) =	sbr.rel @p0 .LBB2_2-.Ltmp0, $4  }
0x29: {  	s19 =	sadd.s32 $0x2800, s20;
	[sflag:s16] =	ssyncadd.s32 $0xFFFFC000  }
0x2a: {  	[spmem:s3] =	stream.indirect.scatter.add.f32 [tilespmem:s15], [sflag:$0x2], $0x80, s19, s14, $0xb8;
	[tilespmem:$0x1D000] =	vst v63  }
0x2b: {  	_ =	swait.ge [sflag:s12], $0x4000  }
0x2c: {  	s19 =	smov.u32 s21;
	[sflag:s12] =	ssyncset.done $0x0  }
0x2d: {  	s18 =	sshra.s32 s18, $0x2;
	[sflag:s12] =	ssyncadd.s32 $0xFFFFC000  }
0x2e: {  	[tilespmem:s15], [sflag:$0x1] =	stream.indirect.gather [hbm4b:s2+s14], $0x80, s18, s14, $0xb8;
	[tilespmem:$0x1D000] =	vst v63  }
0x2f: {  	_ =	swait.ge [sflag:s16], $0x4000  }
0x30: {  	[sflag:s16] =	ssyncset.done $0x0  }
0x31: {  	s18 =	sadd.s32 $0x2800, s18;
	[sflag:s16] =	ssyncadd.s32 $0xFFFFC000  }
0x32: {  	[spmem:s3] =	stream.indirect.scatter.add.f32 [tilespmem:s15], [sflag:$0x2], $0x80, s18, s14, $0xb8;
	[tilespmem:$0x1D000] =	vst v63  }
0x33: {  	_ =	swait.ge [sflag:s12], $0x4000  }
0x34: {  	s17 =	sadd.s32 $0x1, s17;
	[sflag:s12] =	ssyncset.done $0x0  }
0x35: {  	p0 =	sne.s32 s17, s10;
	[sflag:s12] =	ssyncadd.s32 $0xFFFFC000  }
.Ltmp1:
0x36: {  	[bflag:$0x0] =	sbarrier.arrive $0xFFFF;
	(pc) =	sbr.rel @p0 .LBB2_1-.Ltmp1, $4  }
0x37: {  	[hbm:s9], [sflag:s6] =	dma.local [spmem:s11], $0x2800  }
0x38: {  	_ =	swait.ge [sflag:s12], $0x2800  }
0x39: {  	[sflag:s12] =	ssyncset.done $0x0  }
0x3a: {  	[sflag:s12] =	ssyncadd.s32 $0xFFFFD800  }
0x3b: {  	_ =	sfence.sel $0x180000  }
0x3c: {  	[bflag:$0x0] =	sbarrier.arrive $0xFFFF  }
0x3d: {  	p0 =	sne.s32 s0, $0x0;
	_ =	strace $0x9000004A  }
0x3e: {  	s0 =	sadd.s32 @!p0 $0x100000, s1;
	[bflag:$0x2] =	sbarrier.arrive $0xFFFF  }
0x3f: {  	[sflag:s0] =	ssyncadd.tile.s32 @!p0 $0x1;
	_ =	shalt  }
.Lfunc_end2:
_tile_overlayer_lowered:
.L_overlay_start_2:
0x40: {  	(tag) =	ssettag $0x2  }
0x41: {  	s0 =	rddreg [dreg:$0x0];
	s2 =	stileid.u32  }
0x42: {  	s1 =	rddreg [dreg:$0x1];
	p0 =	sne.s32 s2, $0x0  }
0x43: {  	s3 =	rddreg [dreg:$0x2];
	[bflag:$0x3] =	sbarrier.arrive $0xFFFF;
	s2 =	simm.s32 @!p0 $0x1C02  }
0x44: {  	[timem:s3], [sflag:s2] =	dma.local @!p0 [hbm:s0], s1  }
0x45: {  	s0 =	simm.s32 @!p0 $0x2  }
0x46: {  	_ =	swait.ge @!p0 [sflag:s0], s1  }
0x47: {  	s1 =	ssub.s32 @!p0 $0x0, s1;
	[sflag:s0] =	ssyncset.done @!p0 $0x0  }
0x48: {  	[sflag:s0] =	ssyncadd.s32 @!p0 s1  }
0x49: {  	[bflag:$0x3] =	sbarrier.arrive $0xFFFF  }
0x4a: {  	_ =	shalt  }

</sc_bundles>
